<compile_context>
chip_gen: v7x
topology: tpu7x:2x2x1
jax: 0.10.2.dev20260603
libtpu: 0.0.44.dev20260713+nightly
codegen_flags: <defaults>
</compile_context>

<pallas_src>
import functools

import jax
import jax.numpy as jnp
from jax import lax
from jax.experimental import pallas as pl
from jax.experimental.pallas import tpu as pltpu
from jax.experimental.pallas import tpu_sc as plsc

CH = 128
NW = 32
RI = 512


@functools.lru_cache(maxsize=None)
def _make_fnet(E, Epad, DE, H, D):
    BE = 2048
    grid = (Epad // BE,)

    def body(ea, w1, b1, w2, b2, w_out):
        h = jnp.tanh(jnp.dot(ea[...], w1[...], preferred_element_type=jnp.float32)
                     + b1[...])
        w = jnp.dot(h, w2[...], preferred_element_type=jnp.float32) + b2[...]
        i = pl.program_id(0)
        rows = i * BE + lax.broadcasted_iota(jnp.int32, (BE, 1), 0)
        w_out[...] = jnp.where(rows < E, w, 0.0)

    return pl.pallas_call(
        body,
        grid=grid,
        in_specs=[
            pl.BlockSpec((BE, DE), lambda i: (i, 0)),
            pl.BlockSpec((DE, H), lambda i: (0, 0)),
            pl.BlockSpec((1, H), lambda i: (0, 0)),
            pl.BlockSpec((H, D), lambda i: (0, 0)),
            pl.BlockSpec((1, D), lambda i: (0, 0)),
        ],
        out_specs=pl.BlockSpec((BE, D), lambda i: (i, 0)),
        out_shape=jax.ShapeDtypeStruct((Epad, D), jnp.float32),
    )


@functools.lru_cache(maxsize=None)
def _make_softmax(N, D, BN):
    def body(x, o):
        v = x[...]
        m = jnp.max(v, axis=-1, keepdims=True)
        e = jnp.exp(v - m)
        o[...] = e / jnp.sum(e, axis=-1, keepdims=True)

    return pl.pallas_call(
        body,
        grid=(N // BN,),
        in_specs=[pl.BlockSpec((BN, D), lambda i: (i, 0))],
        out_specs=pl.BlockSpec((BN, D), lambda i: (i, 0)),
        out_shape=jax.ShapeDtypeStruct((N, D), jnp.float32),
    )


@functools.lru_cache(maxsize=None)
def _make_update(N, D, BN, do_softmax):
    def body(x, p0, p1, d0, d1, o):
        deg = d0[...] + d1[...]
        degc = jnp.maximum(deg, 1.0)
        q = x[...] - (p0[...] + p1[...]) / degc
        if do_softmax:
            m = jnp.max(q, axis=-1, keepdims=True)
            e = jnp.exp(q - m)
            q = e / jnp.sum(e, axis=-1, keepdims=True)
        o[...] = q

    return pl.pallas_call(
        body,
        grid=(N // BN,),
        in_specs=[
            pl.BlockSpec((BN, D), lambda i: (i, 0)),
            pl.BlockSpec((BN, D), lambda i: (i, 0)),
            pl.BlockSpec((BN, D), lambda i: (i, 0)),
            pl.BlockSpec((BN, 1), lambda i: (i, 0)),
            pl.BlockSpec((BN, 1), lambda i: (i, 0)),
        ],
        out_specs=pl.BlockSpec((BN, D), lambda i: (i, 0)),
        out_shape=jax.ShapeDtypeStruct((N, D), jnp.float32),
    )


@functools.lru_cache(maxsize=None)
def _make_sc_pass(Npad, D, Epad, with_deg):
    EPT = Epad // NW
    CHUNKS = EPT // CH
    RZ = Npad // 16
    mesh = plsc.VectorSubcoreMesh(core_axis_name="c", subcore_axis_name="s")

    outs = [jax.ShapeDtypeStruct((2, Npad, D), jnp.float32)]
    scratch = [
        pltpu.VMEM((1, RI), jnp.int32),
        pltpu.VMEM((CH, D), jnp.float32),
        pltpu.VMEM((CH, D), jnp.float32),
        pltpu.VMEM_SHARED((Npad, D), jnp.float32),
        pltpu.SemaphoreType.DMA,
        pltpu.SemaphoreType.DMA,
        pltpu.SemaphoreType.DMA,
    ]
    if with_deg:
        outs.append(jax.ShapeDtypeStruct((2 * Npad,), jnp.float32))
        scratch += [
            pltpu.VMEM((CH,), jnp.float32),
            pltpu.VMEM_SHARED((Npad,), jnp.float32),
            pltpu.VMEM((RZ,), jnp.float32),
            pltpu.SemaphoreType.DMA,
        ]

    def body(q_hbm, w_hbm, idx_hbm, *rest):
        if with_deg:
            (z_hbm, z1_hbm, agg_out, deg_out,
             idx_b, w0, q0, agg_sh,
             a0, b0, c0,
             ones_v, deg_sh, deg_v, semD) = rest
        else:
            (z_hbm, agg_out,
             idx_b, w0, q0, agg_sh,
             a0, b0, c0) = rest

        c = lax.axis_index("c")
        s = lax.axis_index("s")
        wid = c * 16 + s
        zb = pl.multiple_of(s * RZ, 8)

        pltpu.sync_copy(z_hbm.at[pl.ds(zb, RZ)], agg_sh.at[pl.ds(zb, RZ)])
        if with_deg:
            pltpu.sync_copy(z1_hbm.at[pl.ds(zb, RZ)], deg_v)
            pltpu.sync_copy(deg_v, deg_sh.at[pl.ds(zb, RZ)])
            for i in range(CH // 16):
                ones_v[pl.ds(i * 16, 16)] = jnp.full((16,), 1.0, jnp.float32)
        plsc.subcore_barrier()

        base0 = wid * EPT

        def chunk(g, cr):
            @pl.when(g >= 1)
            def _():
                pltpu.make_async_copy(w_hbm.at[pl.ds(0, CH)], q0, c0).wait()
                if with_deg:
                    pltpu.make_async_copy(z1_hbm.at[pl.ds(0, CH)], ones_v,
                                          semD).wait()
            pltpu.sync_copy(idx_hbm.at[wid, pl.ds(g, 1)], idx_b)
            pltpu.async_copy(w_hbm.at[pl.ds(base0 + g * CH, CH)], w0, a0)
            pltpu.async_copy(q_hbm.at[idx_b.at[0, pl.ds(0, CH)]], q0, b0)
            pltpu.make_async_copy(w_hbm.at[pl.ds(0, CH)], q0, b0).wait()
            pltpu.make_async_copy(w_hbm.at[pl.ds(0, CH)], w0, a0).wait()

            @plsc.parallel_loop(0, CH, step=1, unroll=8)
            def _mul(r):
                for cc in range(D // 16):
                    sl = pl.ds(cc * 16, 16)
                    q0[r, sl] = q0[r, sl] * w0[r, sl]

            pltpu.async_copy(q0, agg_sh.at[idx_b.at[0, pl.ds(256, CH)]],
                             c0, add=True)
            if with_deg:
                pltpu.async_copy(ones_v,
                                 deg_sh.at[idx_b.at[0, pl.ds(256, CH)]],
                                 semD, add=True)
            return cr
        lax.fori_loop(0, CHUNKS, chunk, 0)

        pltpu.make_async_copy(w_hbm.at[pl.ds(0, CH)], q0, c0).wait()
        if with_deg:
            pltpu.make_async_copy(z1_hbm.at[pl.ds(0, CH)], ones_v, semD).wait()
        plsc.subcore_barrier()

        pltpu.sync_copy(agg_sh.at[pl.ds(zb, RZ)], agg_out.at[c, pl.ds(zb, RZ)])
        if with_deg:
            db = pl.multiple_of(c * Npad + zb, 8)
            pltpu.sync_copy(deg_sh.at[pl.ds(zb, RZ)], deg_v)
            pltpu.sync_copy(deg_v, deg_out.at[pl.ds(db, RZ)])

    return pl.kernel(body, mesh=mesh, out_type=outs, scratch_types=scratch)


def kernel(input, edge_index, edge_attr, W1, b1, W2, b2):
    N, D = input.shape
    E, DE = edge_attr.shape
    H = W1.shape[1]
    CB = NW * CH
    Epad = ((E + CB - 1) // CB) * CB
    CHUNKS = Epad // (NW * CH)

    Npad = ((N + 127) // 128) * 128

    ea_p = jnp.pad(edge_attr, ((0, Epad - E), (0, 0)))
    src = jnp.pad(edge_index[0], (0, Epad - E)).reshape(NW, CHUNKS, CH)
    dst = jnp.pad(edge_index[1], (0, Epad - E),
                  constant_values=N).reshape(NW, CHUNKS, CH)
    src = jnp.pad(src, ((0, 0), (0, 0), (0, 256 - CH)))
    dst = jnp.pad(dst, ((0, 0), (0, 0), (0, 256 - CH)), constant_values=N)
    idx = jnp.concatenate([src, dst], axis=2)
    z = jnp.zeros((Npad, D), jnp.float32)
    z1 = jnp.zeros((Npad,), jnp.float32)

    w_pad = _make_fnet(E, Epad, DE, H, D)(
        ea_p, W1, b1.reshape(1, H), W2, b2.reshape(1, D))

    BN = 2000 if N % 2000 == 0 else N
    q0 = _make_softmax(N, D, BN)(input)

    agg1, deg = _make_sc_pass(Npad, D, Epad, True)(q0, w_pad, idx, z, z1)
    agg1 = agg1[:, :N]
    deg = deg.reshape(2, Npad)[:, :N].reshape(2, N, 1)
    q1 = _make_update(N, D, BN, True)(input, agg1[0], agg1[1], deg[0], deg[1])

    (agg2,) = _make_sc_pass(Npad, D, Epad, False)(q1, w_pad, idx, z)
    agg2 = agg2[:, :N]
    out = _make_update(N, D, BN, False)(input, agg2[0], agg2[1], deg[0], deg[1])
    return out

# --- scband reference (transcript-rebuilt; emitter-appended) ---
"""Pipeline reference for scband-ecc-crfmodule-86260123174009 (READ-ONLY COPY).

The authoritative reference and input builder live on the scoring server;
editing this copy changes nothing except your own understanding.
"""

import jax, jax.numpy as jnp
import numpy as np

N = 10000
E = 320000
D = 128
DE = 16
H = 64
NREPEATS = 2


def setup_inputs(seed: int = 0) -> dict:
    key = jax.random.key(seed)
    ks = jax.random.split(key, 8)
    x = jax.random.normal(ks[0], (N, D), dtype=jnp.float32)
    edge_index = jax.random.randint(ks[1], (2, E), 0, N, dtype=jnp.int32)
    edge_attr = jax.random.normal(ks[2], (E, DE), dtype=jnp.float32)
    # Filter-generating network (ECC FNet) params: edge_attr -> per-edge diagonal filter [D]
    W1 = jax.random.normal(ks[3], (DE, H), dtype=jnp.float32) * (1.0 / np.sqrt(DE))
    b1 = jnp.zeros((H,), dtype=jnp.float32)
    W2 = jax.random.normal(ks[4], (H, D), dtype=jnp.float32) * (1.0 / np.sqrt(H))
    b2 = jnp.zeros((D,), dtype=jnp.float32)
    return {"input": x, "edge_index": edge_index, "edge_attr": edge_attr,
            "W1": W1, "b1": b1, "W2": W2, "b2": b2}


def _propagation(Q, edge_index, edge_attr, W1, b1, W2, b2):
    # ECC with filter network producing per-edge diagonal (2D-matrix diag) filter
    h = jnp.tanh(edge_attr @ W1 + b1)           # [E, H]
    w = h @ W2 + b2                              # [E, D] edge-conditioned diagonal filter
    src = edge_index[0]
    dst = edge_index[1]
    msgs = w * jnp.take(Q, src, axis=0)          # gather + elementwise filter
    agg = jax.ops.segment_sum(msgs, dst, num_segments=N)  # scatter-add
    deg = jax.ops.segment_sum(jnp.ones((E,), jnp.float32), dst, num_segments=N)
    return agg / jnp.clip(deg, 1.0)[:, None]     # mean aggregation


def reference(input, edge_index, edge_attr, W1, b1, W2, b2):
    # CRF-as-RNN mean-field iterations (ECC_CRFModule.forward)
    Q = jax.nn.softmax(input, axis=1)
    for i in range(NREPEATS):
        Q = _propagation(Q, edge_index, edge_attr, W1, b1, W2, b2)
        Q = input - Q
        if i < NREPEATS - 1:
            Q = jax.nn.softmax(Q, axis=1)
    return Q

if __name__ == "__main__":
    import jax
    _d = setup_inputs()
    print(jax.jit(kernel)(*tuple(_d.values())))

</pallas_src>

<mosaic_0001>
#map = affine_map<(d0, d1) -> (0, 0)>
#map1 = affine_map<(d0, d1) -> (0, 0, 0)>
#map2 = affine_map<(d0, d1) -> (0)>
module attributes {stable_mosaic.version = 14 : i64} {
  func.func @body(%arg0: i32, %arg1: i32, %arg2: memref<10000x128xf32, #tpu.memory_space<hbm>>, %arg3: memref<323584x128xf32, #tpu.memory_space<hbm>>, %arg4: memref<32x79x512xi32, #tpu.memory_space<hbm>>, %arg5: memref<10112x128xf32, #tpu.memory_space<hbm>>, %arg6: memref<10112xf32, #tpu.memory_space<hbm>>, %arg7: memref<2x10112x128xf32, #tpu.memory_space<hbm>>, %arg8: memref<20224xf32, #tpu.memory_space<hbm>>, %arg9: memref<1x512xi32, #tpu.memory_space<vmem>>, %arg10: memref<128x128xf32, #tpu.memory_space<vmem>>, %arg11: memref<128x128xf32, #tpu.memory_space<vmem>>, %arg12: memref<10112x128xf32, #tpu.memory_space<vmem_shared>>, %arg13: memref<!tpu.dma_semaphore, #tpu.memory_space<semaphore_mem>>, %arg14: memref<!tpu.dma_semaphore, #tpu.memory_space<semaphore_mem>>, %arg15: memref<!tpu.dma_semaphore, #tpu.memory_space<semaphore_mem>>, %arg16: memref<128xf32, #tpu.memory_space<vmem>>, %arg17: memref<10112xf32, #tpu.memory_space<vmem_shared>>, %arg18: memref<632xf32, #tpu.memory_space<vmem>>, %arg19: memref<!tpu.dma_semaphore, #tpu.memory_space<semaphore_mem>>) attributes {dimension_semantics = [#tpu.dimension_semantics<core_parallel>, #tpu.dimension_semantics<subcore_parallel>], iteration_bounds = array<i64: 2, 16>, scalar_prefetch = 0 : i64, scratch_operands = 11 : i64, tpu.core_type = #tpu.core_type<sc_vector_subcore>, window_params = [{transform_indices = #map}, {transform_indices = #map}, {transform_indices = #map1}, {transform_indices = #map}, {transform_indices = #map2}, {transform_indices = #map1}, {transform_indices = #map2}]} {
    %mul3A = arith.constant 16 : i32
    %mul3A_0 = arith.muli %arg0, %mul3A : i32
    %add3A = arith.addi %mul3A_0, %arg1 : i32
    %mul3A_1 = arith.constant 632 : i32
    %mul3A_2 = arith.muli %arg1, %mul3A_1 : i32
    %multiple_of3A = tpu.assume_multiple %mul3A_2, 8 : i32
    "tpu.region"() ({
      %run_scoped3A = tpu.sem_alloc : memref<!tpu.dma_semaphore, #tpu.memory_space<semaphore_mem>>
      %dma_start3A = arith.constant 0 : i32
      %dma_start3A_70 = tpu.memref_slice %arg12[%multiple_of3A, %dma_start3A] : memref<10112x128xf32, #tpu.memory_space<vmem_shared>> -> memref<632x128xf32, #tpu.memory_space<vmem_shared>>
      %dma_start3A_71 = arith.constant 0 : i32
      %dma_start3A_72 = tpu.memref_slice %arg5[%multiple_of3A, %dma_start3A_71] : memref<10112x128xf32, #tpu.memory_space<hbm>> -> memref<632x128xf32, #tpu.memory_space<hbm>>
      tpu.enqueue_dma source(%dma_start3A_72 : memref<632x128xf32, #tpu.memory_space<hbm>>) target(%dma_start3A_70 : memref<632x128xf32, #tpu.memory_space<vmem_shared>>) target_semaphore(%run_scoped3A : memref<!tpu.dma_semaphore, #tpu.memory_space<semaphore_mem>>)
      %dma_wait3A_73 = arith.constant 0 : i32
      %dma_wait3A_74 = tpu.memref_slice %arg12[%multiple_of3A, %dma_wait3A_73] : memref<10112x128xf32, #tpu.memory_space<vmem_shared>> -> memref<632x128xf32, #tpu.memory_space<vmem_shared>>
      %dma_wait3A_75 = arith.constant 0 : i32
      %dma_wait3A_76 = tpu.memref_slice %arg5[%multiple_of3A, %dma_wait3A_75] : memref<10112x128xf32, #tpu.memory_space<hbm>> -> memref<632x128xf32, #tpu.memory_space<hbm>>
      tpu.wait_dma2 semaphore(%run_scoped3A : memref<!tpu.dma_semaphore, #tpu.memory_space<semaphore_mem>>) src(%dma_wait3A_76 : memref<632x128xf32, #tpu.memory_space<hbm>>) dst(%dma_wait3A_74 : memref<632x128xf32, #tpu.memory_space<vmem_shared>>)
      tpu.yield
    }) : () -> ()
    "tpu.region"() ({
      %run_scoped3A = tpu.sem_alloc : memref<!tpu.dma_semaphore, #tpu.memory_space<semaphore_mem>>
      %dma_start3A = tpu.memref_slice %arg6[%multiple_of3A] : memref<10112xf32, #tpu.memory_space<hbm>> -> memref<632xf32, #tpu.memory_space<hbm>>
      %dma_start3A_70 = tpu.memref_slice %arg6[%multiple_of3A] : memref<10112xf32, #tpu.memory_space<hbm>> -> memref<632xf32, #tpu.memory_space<hbm>>
      tpu.enqueue_dma source(%dma_start3A_70 : memref<632xf32, #tpu.memory_space<hbm>>) target(%arg18 : memref<632xf32, #tpu.memory_space<vmem>>) target_semaphore(%run_scoped3A : memref<!tpu.dma_semaphore, #tpu.memory_space<semaphore_mem>>)
      %dma_wait3A_71 = tpu.memref_slice %arg6[%multiple_of3A] : memref<10112xf32, #tpu.memory_space<hbm>> -> memref<632xf32, #tpu.memory_space<hbm>>
      %dma_wait3A_72 = tpu.memref_slice %arg6[%multiple_of3A] : memref<10112xf32, #tpu.memory_space<hbm>> -> memref<632xf32, #tpu.memory_space<hbm>>
      tpu.wait_dma2 semaphore(%run_scoped3A : memref<!tpu.dma_semaphore, #tpu.memory_space<semaphore_mem>>) src(%dma_wait3A_72 : memref<632xf32, #tpu.memory_space<hbm>>) dst(%arg18 : memref<632xf32, #tpu.memory_space<vmem>>)
      tpu.yield
    }) : () -> ()
    "tpu.region"() ({
      %run_scoped3A = tpu.sem_alloc : memref<!tpu.dma_semaphore, #tpu.memory_space<semaphore_mem>>
      %dma_start3A = tpu.memref_slice %arg17[%multiple_of3A] : memref<10112xf32, #tpu.memory_space<vmem_shared>> -> memref<632xf32, #tpu.memory_space<vmem_shared>>
      %dma_start3A_70 = tpu.memref_slice %arg17[%multiple_of3A] : memref<10112xf32, #tpu.memory_space<vmem_shared>> -> memref<632xf32, #tpu.memory_space<vmem_shared>>
      tpu.enqueue_dma source(%arg18 : memref<632xf32, #tpu.memory_space<vmem>>) target(%dma_start3A_70 : memref<632xf32, #tpu.memory_space<vmem_shared>>) target_semaphore(%run_scoped3A : memref<!tpu.dma_semaphore, #tpu.memory_space<semaphore_mem>>)
      %dma_wait3A_71 = tpu.memref_slice %arg17[%multiple_of3A] : memref<10112xf32, #tpu.memory_space<vmem_shared>> -> memref<632xf32, #tpu.memory_space<vmem_shared>>
      %dma_wait3A_72 = tpu.memref_slice %arg17[%multiple_of3A] : memref<10112xf32, #tpu.memory_space<vmem_shared>> -> memref<632xf32, #tpu.memory_space<vmem_shared>>
      tpu.wait_dma2 semaphore(%run_scoped3A : memref<!tpu.dma_semaphore, #tpu.memory_space<semaphore_mem>>) src(%arg18 : memref<632xf32, #tpu.memory_space<vmem>>) dst(%dma_wait3A_72 : memref<632xf32, #tpu.memory_space<vmem_shared>>)
      tpu.yield
    }) : () -> ()
    %broadcast_in_dim3A = arith.constant 1.000000e+00 : f32
    %broadcast_in_dim3A_3 = vector.broadcast %broadcast_in_dim3A : f32 to vector<16xf32>
    %swap3A = arith.constant 0 : index
    %swap3A_4 = tpu.vector_load %arg16[%swap3A] {strides = array<i32>} : memref<128xf32, #tpu.memory_space<vmem>>, vector<16xf32>,
    %swap3A_5 = vector.shape_cast %swap3A_4 : vector<16xf32> to vector<16xf32>
    %swap3A_6 = vector.shape_cast %broadcast_in_dim3A_3 : vector<16xf32> to vector<16xf32>
    tpu.vector_store %arg16[%swap3A], %swap3A_6 {strides = array<i32>} : memref<128xf32, #tpu.memory_space<vmem>>, vector<16xf32>,
    %broadcast_in_dim3A_7 = arith.constant 1.000000e+00 : f32
    %broadcast_in_dim3A_8 = vector.broadcast %broadcast_in_dim3A_7 : f32 to vector<16xf32>
    %swap3A_9 = arith.constant 16 : index
    %swap3A_10 = tpu.vector_load %arg16[%swap3A_9] {strides = array<i32>} : memref<128xf32, #tpu.memory_space<vmem>>, vector<16xf32>,
    %swap3A_11 = vector.shape_cast %swap3A_10 : vector<16xf32> to vector<16xf32>
    %swap3A_12 = vector.shape_cast %broadcast_in_dim3A_8 : vector<16xf32> to vector<16xf32>
    tpu.vector_store %arg16[%swap3A_9], %swap3A_12 {strides = array<i32>} : memref<128xf32, #tpu.memory_space<vmem>>, vector<16xf32>,
    %broadcast_in_dim3A_13 = arith.constant 1.000000e+00 : f32
    %broadcast_in_dim3A_14 = vector.broadcast %broadcast_in_dim3A_13 : f32 to vector<16xf32>
    %swap3A_15 = arith.constant 32 : index
    %swap3A_16 = tpu.vector_load %arg16[%swap3A_15] {strides = array<i32>} : memref<128xf32, #tpu.memory_space<vmem>>, vector<16xf32>,
    %swap3A_17 = vector.shape_cast %swap3A_16 : vector<16xf32> to vector<16xf32>
    %swap3A_18 = vector.shape_cast %broadcast_in_dim3A_14 : vector<16xf32> to vector<16xf32>
    tpu.vector_store %arg16[%swap3A_15], %swap3A_18 {strides = array<i32>} : memref<128xf32, #tpu.memory_space<vmem>>, vector<16xf32>,
    %broadcast_in_dim3A_19 = arith.constant 1.000000e+00 : f32
    %broadcast_in_dim3A_20 = vector.broadcast %broadcast_in_dim3A_19 : f32 to vector<16xf32>
    %swap3A_21 = arith.constant 48 : index
    %swap3A_22 = tpu.vector_load %arg16[%swap3A_21] {strides = array<i32>} : memref<128xf32, #tpu.memory_space<vmem>>, vector<16xf32>,
    %swap3A_23 = vector.shape_cast %swap3A_22 : vector<16xf32> to vector<16xf32>
    %swap3A_24 = vector.shape_cast %broadcast_in_dim3A_20 : vector<16xf32> to vector<16xf32>
    tpu.vector_store %arg16[%swap3A_21], %swap3A_24 {strides = array<i32>} : memref<128xf32, #tpu.memory_space<vmem>>, vector<16xf32>,
    %broadcast_in_dim3A_25 = arith.constant 1.000000e+00 : f32
    %broadcast_in_dim3A_26 = vector.broadcast %broadcast_in_dim3A_25 : f32 to vector<16xf32>
    %swap3A_27 = arith.constant 64 : index
    %swap3A_28 = tpu.vector_load %arg16[%swap3A_27] {strides = array<i32>} : memref<128xf32, #tpu.memory_space<vmem>>, vector<16xf32>,
    %swap3A_29 = vector.shape_cast %swap3A_28 : vector<16xf32> to vector<16xf32>
    %swap3A_30 = vector.shape_cast %broadcast_in_dim3A_26 : vector<16xf32> to vector<16xf32>
    tpu.vector_store %arg16[%swap3A_27], %swap3A_30 {strides = array<i32>} : memref<128xf32, #tpu.memory_space<vmem>>, vector<16xf32>,
    %broadcast_in_dim3A_31 = arith.constant 1.000000e+00 : f32
    %broadcast_in_dim3A_32 = vector.broadcast %broadcast_in_dim3A_31 : f32 to vector<16xf32>
    %swap3A_33 = arith.constant 80 : index
    %swap3A_34 = tpu.vector_load %arg16[%swap3A_33] {strides = array<i32>} : memref<128xf32, #tpu.memory_space<vmem>>, vector<16xf32>,
    %swap3A_35 = vector.shape_cast %swap3A_34 : vector<16xf32> to vector<16xf32>
    %swap3A_36 = vector.shape_cast %broadcast_in_dim3A_32 : vector<16xf32> to vector<16xf32>
    tpu.vector_store %arg16[%swap3A_33], %swap3A_36 {strides = array<i32>} : memref<128xf32, #tpu.memory_space<vmem>>, vector<16xf32>,
    %broadcast_in_dim3A_37 = arith.constant 1.000000e+00 : f32
    %broadcast_in_dim3A_38 = vector.broadcast %broadcast_in_dim3A_37 : f32 to vector<16xf32>
    %swap3A_39 = arith.constant 96 : index
    %swap3A_40 = tpu.vector_load %arg16[%swap3A_39] {strides = array<i32>} : memref<128xf32, #tpu.memory_space<vmem>>, vector<16xf32>,
    %swap3A_41 = vector.shape_cast %swap3A_40 : vector<16xf32> to vector<16xf32>
    %swap3A_42 = vector.shape_cast %broadcast_in_dim3A_38 : vector<16xf32> to vector<16xf32>
    tpu.vector_store %arg16[%swap3A_39], %swap3A_42 {strides = array<i32>} : memref<128xf32, #tpu.memory_space<vmem>>, vector<16xf32>,
    %broadcast_in_dim3A_43 = arith.constant 1.000000e+00 : f32
    %broadcast_in_dim3A_44 = vector.broadcast %broadcast_in_dim3A_43 : f32 to vector<16xf32>
    %swap3A_45 = arith.constant 112 : index
    %swap3A_46 = tpu.vector_load %arg16[%swap3A_45] {strides = array<i32>} : memref<128xf32, #tpu.memory_space<vmem>>, vector<16xf32>,
    %swap3A_47 = vector.shape_cast %swap3A_46 : vector<16xf32> to vector<16xf32>
    %swap3A_48 = vector.shape_cast %broadcast_in_dim3A_44 : vector<16xf32> to vector<16xf32>
    tpu.vector_store %arg16[%swap3A_45], %swap3A_48 {strides = array<i32>} : memref<128xf32, #tpu.memory_space<vmem>>, vector<16xf32>,
    %barrier3A = arith.constant 0 : index
    tpu.barrier barrier_id(%barrier3A)
    %mul3A_49 = arith.constant 10112 : i32
    %mul3A_50 = arith.muli %add3A, %mul3A_49 : i32
    %scan3A = arith.constant 0 : i32
    %scan3A_51 = arith.constant 0 : i32
    %scan3A_52 = arith.constant 79 : i32
    %scan3A_53 = arith.addi %scan3A_51, %scan3A_52 : i32
    %scan3A_54 = arith.constant 1 : i32
    scf.for %scan3A_70 = %scan3A_51 to %scan3A_53 step %scan3A_54  : i32 {
      %ge3A = arith.constant 1 : i32
      %ge3A_71 = arith.cmpi sge, %scan3A_70, %ge3A : i32
      %convert_element_type3A = arith.extui %ge3A_71 : i1 to i32
      %cond3A = arith.constant 0 : i32
      %cond3A_72 = arith.cmpi ne, %convert_element_type3A, %cond3A : i32
      scf.if %cond3A_72 {
        %dma_wait3A_113 = arith.constant 0 : i32
        %dma_wait3A_114 = arith.constant 0 : i32
        %dma_wait3A_115 = tpu.memref_slice %arg3[%dma_wait3A_113, %dma_wait3A_114] : memref<323584x128xf32, #tpu.memory_space<hbm>> -> memref<128x128xf32, #tpu.memory_space<hbm>>
        %dma_wait3A_116 = arith.constant 0 : i32
        %dma_wait3A_117 = arith.constant 0 : i32
        %dma_wait3A_118 = tpu.memref_slice %arg3[%dma_wait3A_116, %dma_wait3A_117] : memref<323584x128xf32, #tpu.memory_space<hbm>> -> memref<128x128xf32, #tpu.memory_space<hbm>>
        tpu.wait_dma2 semaphore(%arg15 : memref<!tpu.dma_semaphore, #tpu.memory_space<semaphore_mem>>) src(%dma_wait3A_118 : memref<128x128xf32, #tpu.memory_space<hbm>>) dst(%arg11 : memref<128x128xf32, #tpu.memory_space<vmem>>)
        %dma_wait3A_119 = arith.constant 0 : i32
        %dma_wait3A_120 = tpu.memref_slice %arg6[%dma_wait3A_119] : memref<10112xf32, #tpu.memory_space<hbm>> -> memref<128xf32, #tpu.memory_space<hbm>>
        %dma_wait3A_121 = arith.constant 0 : i32
        %dma_wait3A_122 = tpu.memref_slice %arg6[%dma_wait3A_121] : memref<10112xf32, #tpu.memory_space<hbm>> -> memref<128xf32, #tpu.memory_space<hbm>>
        tpu.wait_dma2 semaphore(%arg19 : memref<!tpu.dma_semaphore, #tpu.memory_space<semaphore_mem>>) src(%dma_wait3A_122 : memref<128xf32, #tpu.memory_space<hbm>>) dst(%arg16 : memref<128xf32, #tpu.memory_space<vmem>>)
      } else {
      }
      "tpu.region"() ({
        %run_scoped3A = tpu.sem_alloc : memref<!tpu.dma_semaphore, #tpu.memory_space<semaphore_mem>>
        %dma_start3A_113 = arith.constant 0 : i32
        %dma_start3A_114 = tpu.memref_slice %arg4[%add3A, %scan3A_70, %dma_start3A_113] : memref<32x79x512xi32, #tpu.memory_space<hbm>> -> memref<1x1x512xi32, #tpu.memory_space<hbm>>
        %dma_start3A_115 = tpu.memref_squeeze %dma_start3A_114 : memref<1x1x512xi32, #tpu.memory_space<hbm>> -> memref<1x512xi32, #tpu.memory_space<hbm>>
        %dma_start3A_116 = arith.constant 0 : i32
        %dma_start3A_117 = tpu.memref_slice %arg4[%add3A, %scan3A_70, %dma_start3A_116] : memref<32x79x512xi32, #tpu.memory_space<hbm>> -> memref<1x1x512xi32, #tpu.memory_space<hbm>>
        %dma_start3A_118 = tpu.memref_squeeze %dma_start3A_117 : memref<1x1x512xi32, #tpu.memory_space<hbm>> -> memref<1x512xi32, #tpu.memory_space<hbm>>
        tpu.enqueue_dma source(%dma_start3A_118 : memref<1x512xi32, #tpu.memory_space<hbm>>) target(%arg9 : memref<1x512xi32, #tpu.memory_space<vmem>>) target_semaphore(%run_scoped3A : memref<!tpu.dma_semaphore, #tpu.memory_space<semaphore_mem>>)
        %dma_wait3A_119 = arith.constant 0 : i32
        %dma_wait3A_120 = tpu.memref_slice %arg4[%add3A, %scan3A_70, %dma_wait3A_119] : memref<32x79x512xi32, #tpu.memory_space<hbm>> -> memref<1x1x512xi32, #tpu.memory_space<hbm>>
        %dma_wait3A_121 = tpu.memref_squeeze %dma_wait3A_120 : memref<1x1x512xi32, #tpu.memory_space<hbm>> -> memref<1x512xi32, #tpu.memory_space<hbm>>
        %dma_wait3A_122 = arith.constant 0 : i32
        %dma_wait3A_123 = tpu.memref_slice %arg4[%add3A, %scan3A_70, %dma_wait3A_122] : memref<32x79x512xi32, #tpu.memory_space<hbm>> -> memref<1x1x512xi32, #tpu.memory_space<hbm>>
        %dma_wait3A_124 = tpu.memref_squeeze %dma_wait3A_123 : memref<1x1x512xi32, #tpu.memory_space<hbm>> -> memref<1x512xi32, #tpu.memory_space<hbm>>
        tpu.wait_dma2 semaphore(%run_scoped3A : memref<!tpu.dma_semaphore, #tpu.memory_space<semaphore_mem>>) src(%dma_wait3A_124 : memref<1x512xi32, #tpu.memory_space<hbm>>) dst(%arg9 : memref<1x512xi32, #tpu.memory_space<vmem>>)
        tpu.yield
      }) : () -> ()
      %mul3A_73 = arith.constant 128 : i32
      %mul3A_74 = arith.muli %scan3A_70, %mul3A_73 : i32
      %add3A_75 = arith.addi %mul3A_50, %mul3A_74 : i32
      %dma_start3A = arith.constant 0 : i32
      %dma_start3A_76 = tpu.memref_slice %arg3[%add3A_75, %dma_start3A] : memref<323584x128xf32, #tpu.memory_space<hbm>> -> memref<128x128xf32, #tpu.memory_space<hbm>>
      %dma_start3A_77 = arith.constant 0 : i32
      %dma_start3A_78 = tpu.memref_slice %arg3[%add3A_75, %dma_start3A_77] : memref<323584x128xf32, #tpu.memory_space<hbm>> -> memref<128x128xf32, #tpu.memory_space<hbm>>
      tpu.enqueue_dma source(%dma_start3A_78 : memref<128x128xf32, #tpu.memory_space<hbm>>) target(%arg10 : memref<128x128xf32, #tpu.memory_space<vmem>>) target_semaphore(%arg13 : memref<!tpu.dma_semaphore, #tpu.memory_space<semaphore_mem>>)
      %dma_start3A_79 = arith.constant 0 : i32
      %dma_start3A_80 = arith.constant 0 : i32
      %dma_start3A_81 = tpu.memref_slice %arg9[%dma_start3A_79, %dma_start3A_80] : memref<1x512xi32, #tpu.memory_space<vmem>> -> memref<1x128xi32, #tpu.memory_space<vmem>>
      %dma_start3A_82 = tpu.memref_squeeze %dma_start3A_81 : memref<1x128xi32, #tpu.memory_space<vmem>> -> memref<128xi32, #tpu.memory_space<vmem>>
      %dma_start3A_83 = arith.constant 0 : i32
      %dma_start3A_84 = arith.constant 0 : i32
      %dma_start3A_85 = tpu.memref_slice %arg2[%dma_start3A_83, %dma_start3A_84] : memref<10000x128xf32, #tpu.memory_space<hbm>> -> memref<10000x128xf32, #tpu.memory_space<hbm>>
      tpu.enqueue_indirect_dma source(%dma_start3A_85 : memref<10000x128xf32, #tpu.memory_space<hbm>>) target(%arg11 : memref<128x128xf32, #tpu.memory_space<vmem>>) offsets(%dma_start3A_82 : memref<128xi32, #tpu.memory_space<vmem>>) semaphore(%arg14 : memref<!tpu.dma_semaphore, #tpu.memory_space<semaphore_mem>>)
      %dma_wait3A_86 = arith.constant 0 : i32
      %dma_wait3A_87 = arith.constant 0 : i32
      %dma_wait3A_88 = tpu.memref_slice %arg3[%dma_wait3A_86, %dma_wait3A_87] : memref<323584x128xf32, #tpu.memory_space<hbm>> -> memref<128x128xf32, #tpu.memory_space<hbm>>
      %dma_wait3A_89 = arith.constant 0 : i32
      %dma_wait3A_90 = arith.constant 0 : i32
      %dma_wait3A_91 = tpu.memref_slice %arg3[%dma_wait3A_89, %dma_wait3A_90] : memref<323584x128xf32, #tpu.memory_space<hbm>> -> memref<128x128xf32, #tpu.memory_space<hbm>>
      tpu.wait_dma2 semaphore(%arg14 : memref<!tpu.dma_semaphore, #tpu.memory_space<semaphore_mem>>) src(%dma_wait3A_91 : memref<128x128xf32, #tpu.memory_space<hbm>>) dst(%arg11 : memref<128x128xf32, #tpu.memory_space<vmem>>)
      %dma_wait3A_92 = arith.constant 0 : i32
      %dma_wait3A_93 = arith.constant 0 : i32
      %dma_wait3A_94 = tpu.memref_slice %arg3[%dma_wait3A_92, %dma_wait3A_93] : memref<323584x128xf32, #tpu.memory_space<hbm>> -> memref<128x128xf32, #tpu.memory_space<hbm>>
      %dma_wait3A_95 = arith.constant 0 : i32
      %dma_wait3A_96 = arith.constant 0 : i32
      %dma_wait3A_97 = tpu.memref_slice %arg3[%dma_wait3A_95, %dma_wait3A_96] : memref<323584x128xf32, #tpu.memory_space<hbm>> -> memref<128x128xf32, #tpu.memory_space<hbm>>
      tpu.wait_dma2 semaphore(%arg13 : memref<!tpu.dma_semaphore, #tpu.memory_space<semaphore_mem>>) src(%dma_wait3A_97 : memref<128x128xf32, #tpu.memory_space<hbm>>) dst(%arg10 : memref<128x128xf32, #tpu.memory_space<vmem>>)
      %parallel_loop3A = arith.constant 0 : i32
      %parallel_loop3A_98 = arith.constant 128 : i32
      %parallel_loop3A_99 = arith.constant 1 : i32
      scf.for %parallel_loop3A_113 = %parallel_loop3A to %parallel_loop3A_98 step %parallel_loop3A_99  : i32 {
        %parallel_loop3A_114 = arith.index_cast %parallel_loop3A_113 : i32 to index
        %parallel_loop3A_115 = arith.constant 0 : index
        %parallel_loop3A_116 = tpu.vector_load %arg11[%parallel_loop3A_114, %parallel_loop3A_115] {strides = array<i32>} : memref<128x128xf32, #tpu.memory_space<vmem>>, vector<1x16xf32>,
        %parallel_loop3A_117 = vector.shape_cast %parallel_loop3A_116 : vector<1x16xf32> to vector<16xf32>
        %parallel_loop3A_118 = arith.index_cast %parallel_loop3A_113 : i32 to index
        %parallel_loop3A_119 = arith.constant 0 : index
        %parallel_loop3A_120 = tpu.vector_load %arg10[%parallel_loop3A_118, %parallel_loop3A_119] {strides = array<i32>} : memref<128x128xf32, #tpu.memory_space<vmem>>, vector<1x16xf32>,
        %parallel_loop3A_121 = vector.shape_cast %parallel_loop3A_120 : vector<1x16xf32> to vector<16xf32>
        %parallel_loop3A_122 = arith.mulf %parallel_loop3A_117, %parallel_loop3A_121 : vector<16xf32>
        %parallel_loop3A_123 = arith.index_cast %parallel_loop3A_113 : i32 to index
        %parallel_loop3A_124 = arith.constant 0 : index
        %parallel_loop3A_125 = tpu.vector_load %arg11[%parallel_loop3A_123, %parallel_loop3A_124] {strides = array<i32>} : memref<128x128xf32, #tpu.memory_space<vmem>>, vector<1x16xf32>,
        %parallel_loop3A_126 = vector.shape_cast %parallel_loop3A_125 : vector<1x16xf32> to vector<16xf32>
        %parallel_loop3A_127 = vector.shape_cast %parallel_loop3A_122 : vector<16xf32> to vector<1x16xf32>
        tpu.vector_store %arg11[%parallel_loop3A_123, %parallel_loop3A_124], %parallel_loop3A_127 {strides = array<i32>} : memref<128x128xf32, #tpu.memory_space<vmem>>, vector<1x16xf32>,
        %parallel_loop3A_128 = arith.index_cast %parallel_loop3A_113 : i32 to index
        %parallel_loop3A_129 = arith.constant 16 : index
        %parallel_loop3A_130 = tpu.vector_load %arg11[%parallel_loop3A_128, %parallel_loop3A_129] {strides = array<i32>} : memref<128x128xf32, #tpu.memory_space<vmem>>, vector<1x16xf32>,
        %parallel_loop3A_131 = vector.shape_cast %parallel_loop3A_130 : vector<1x16xf32> to vector<16xf32>
        %parallel_loop3A_132 = arith.index_cast %parallel_loop3A_113 : i32 to index
        %parallel_loop3A_133 = arith.constant 16 : index
        %parallel_loop3A_134 = tpu.vector_load %arg10[%parallel_loop3A_132, %parallel_loop3A_133] {strides = array<i32>} : memref<128x128xf32, #tpu.memory_space<vmem>>, vector<1x16xf32>,
        %parallel_loop3A_135 = vector.shape_cast %parallel_loop3A_134 : vector<1x16xf32> to vector<16xf32>
        %parallel_loop3A_136 = arith.mulf %parallel_loop3A_131, %parallel_loop3A_135 : vector<16xf32>
        %parallel_loop3A_137 = arith.index_cast %parallel_loop3A_113 : i32 to index
        %parallel_loop3A_138 = arith.constant 16 : index
        %parallel_loop3A_139 = tpu.vector_load %arg11[%parallel_loop3A_137, %parallel_loop3A_138] {strides = array<i32>} : memref<128x128xf32, #tpu.memory_space<vmem>>, vector<1x16xf32>,
        %parallel_loop3A_140 = vector.shape_cast %parallel_loop3A_139 : vector<1x16xf32> to vector<16xf32>
        %parallel_loop3A_141 = vector.shape_cast %parallel_loop3A_136 : vector<16xf32> to vector<1x16xf32>
        tpu.vector_store %arg11[%parallel_loop3A_137, %parallel_loop3A_138], %parallel_loop3A_141 {strides = array<i32>} : memref<128x128xf32, #tpu.memory_space<vmem>>, vector<1x16xf32>,
        %parallel_loop3A_142 = arith.index_cast %parallel_loop3A_113 : i32 to index
        %parallel_loop3A_143 = arith.constant 32 : index
        %parallel_loop3A_144 = tpu.vector_load %arg11[%parallel_loop3A_142, %parallel_loop3A_143] {strides = array<i32>} : memref<128x128xf32, #tpu.memory_space<vmem>>, vector<1x16xf32>,
        %parallel_loop3A_145 = vector.shape_cast %parallel_loop3A_144 : vector<1x16xf32> to vector<16xf32>
        %parallel_loop3A_146 = arith.index_cast %parallel_loop3A_113 : i32 to index
        %parallel_loop3A_147 = arith.constant 32 : index
        %parallel_loop3A_148 = tpu.vector_load %arg10[%parallel_loop3A_146, %parallel_loop3A_147] {strides = array<i32>} : memref<128x128xf32, #tpu.memory_space<vmem>>, vector<1x16xf32>,
        %parallel_loop3A_149 = vector.shape_cast %parallel_loop3A_148 : vector<1x16xf32> to vector<16xf32>
        %parallel_loop3A_150 = arith.mulf %parallel_loop3A_145, %parallel_loop3A_149 : vector<16xf32>
        %parallel_loop3A_151 = arith.index_cast %parallel_loop3A_113 : i32 to index
        %parallel_loop3A_152 = arith.constant 32 : index
        %parallel_loop3A_153 = tpu.vector_load %arg11[%parallel_loop3A_151, %parallel_loop3A_152] {strides = array<i32>} : memref<128x128xf32, #tpu.memory_space<vmem>>, vector<1x16xf32>,
        %parallel_loop3A_154 = vector.shape_cast %parallel_loop3A_153 : vector<1x16xf32> to vector<16xf32>
        %parallel_loop3A_155 = vector.shape_cast %parallel_loop3A_150 : vector<16xf32> to vector<1x16xf32>
        tpu.vector_store %arg11[%parallel_loop3A_151, %parallel_loop3A_152], %parallel_loop3A_155 {strides = array<i32>} : memref<128x128xf32, #tpu.memory_space<vmem>>, vector<1x16xf32>,
        %parallel_loop3A_156 = arith.index_cast %parallel_loop3A_113 : i32 to index
        %parallel_loop3A_157 = arith.constant 48 : index
        %parallel_loop3A_158 = tpu.vector_load %arg11[%parallel_loop3A_156, %parallel_loop3A_157] {strides = array<i32>} : memref<128x128xf32, #tpu.memory_space<vmem>>, vector<1x16xf32>,
        %parallel_loop3A_159 = vector.shape_cast %parallel_loop3A_158 : vector<1x16xf32> to vector<16xf32>
        %parallel_loop3A_160 = arith.index_cast %parallel_loop3A_113 : i32 to index
        %parallel_loop3A_161 = arith.constant 48 : index
        %parallel_loop3A_162 = tpu.vector_load %arg10[%parallel_loop3A_160, %parallel_loop3A_161] {strides = array<i32>} : memref<128x128xf32, #tpu.memory_space<vmem>>, vector<1x16xf32>,
        %parallel_loop3A_163 = vector.shape_cast %parallel_loop3A_162 : vector<1x16xf32> to vector<16xf32>
        %parallel_loop3A_164 = arith.mulf %parallel_loop3A_159, %parallel_loop3A_163 : vector<16xf32>
        %parallel_loop3A_165 = arith.index_cast %parallel_loop3A_113 : i32 to index
        %parallel_loop3A_166 = arith.constant 48 : index
        %parallel_loop3A_167 = tpu.vector_load %arg11[%parallel_loop3A_165, %parallel_loop3A_166] {strides = array<i32>} : memref<128x128xf32, #tpu.memory_space<vmem>>, vector<1x16xf32>,
        %parallel_loop3A_168 = vector.shape_cast %parallel_loop3A_167 : vector<1x16xf32> to vector<16xf32>
        %parallel_loop3A_169 = vector.shape_cast %parallel_loop3A_164 : vector<16xf32> to vector<1x16xf32>
        tpu.vector_store %arg11[%parallel_loop3A_165, %parallel_loop3A_166], %parallel_loop3A_169 {strides = array<i32>} : memref<128x128xf32, #tpu.memory_space<vmem>>, vector<1x16xf32>,
        %parallel_loop3A_170 = arith.index_cast %parallel_loop3A_113 : i32 to index
        %parallel_loop3A_171 = arith.constant 64 : index
        %parallel_loop3A_172 = tpu.vector_load %arg11[%parallel_loop3A_170, %parallel_loop3A_171] {strides = array<i32>} : memref<128x128xf32, #tpu.memory_space<vmem>>, vector<1x16xf32>,
        %parallel_loop3A_173 = vector.shape_cast %parallel_loop3A_172 : vector<1x16xf32> to vector<16xf32>
        %parallel_loop3A_174 = arith.index_cast %parallel_loop3A_113 : i32 to index
        %parallel_loop3A_175 = arith.constant 64 : index
        %parallel_loop3A_176 = tpu.vector_load %arg10[%parallel_loop3A_174, %parallel_loop3A_175] {strides = array<i32>} : memref<128x128xf32, #tpu.memory_space<vmem>>, vector<1x16xf32>,
        %parallel_loop3A_177 = vector.shape_cast %parallel_loop3A_176 : vector<1x16xf32> to vector<16xf32>
        %parallel_loop3A_178 = arith.mulf %parallel_loop3A_173, %parallel_loop3A_177 : vector<16xf32>
        %parallel_loop3A_179 = arith.index_cast %parallel_loop3A_113 : i32 to index
        %parallel_loop3A_180 = arith.constant 64 : index
        %parallel_loop3A_181 = tpu.vector_load %arg11[%parallel_loop3A_179, %parallel_loop3A_180] {strides = array<i32>} : memref<128x128xf32, #tpu.memory_space<vmem>>, vector<1x16xf32>,
        %parallel_loop3A_182 = vector.shape_cast %parallel_loop3A_181 : vector<1x16xf32> to vector<16xf32>
        %parallel_loop3A_183 = vector.shape_cast %parallel_loop3A_178 : vector<16xf32> to vector<1x16xf32>
        tpu.vector_store %arg11[%parallel_loop3A_179, %parallel_loop3A_180], %parallel_loop3A_183 {strides = array<i32>} : memref<128x128xf32, #tpu.memory_space<vmem>>, vector<1x16xf32>,
        %parallel_loop3A_184 = arith.index_cast %parallel_loop3A_113 : i32 to index
        %parallel_loop3A_185 = arith.constant 80 : index
        %parallel_loop3A_186 = tpu.vector_load %arg11[%parallel_loop3A_184, %parallel_loop3A_185] {strides = array<i32>} : memref<128x128xf32, #tpu.memory_space<vmem>>, vector<1x16xf32>,
        %parallel_loop3A_187 = vector.shape_cast %parallel_loop3A_186 : vector<1x16xf32> to vector<16xf32>
        %parallel_loop3A_188 = arith.index_cast %parallel_loop3A_113 : i32 to index
        %parallel_loop3A_189 = arith.constant 80 : index
        %parallel_loop3A_190 = tpu.vector_load %arg10[%parallel_loop3A_188, %parallel_loop3A_189] {strides = array<i32>} : memref<128x128xf32, #tpu.memory_space<vmem>>, vector<1x16xf32>,
        %parallel_loop3A_191 = vector.shape_cast %parallel_loop3A_190 : vector<1x16xf32> to vector<16xf32>
        %parallel_loop3A_192 = arith.mulf %parallel_loop3A_187, %parallel_loop3A_191 : vector<16xf32>
        %parallel_loop3A_193 = arith.index_cast %parallel_loop3A_113 : i32 to index
        %parallel_loop3A_194 = arith.constant 80 : index
        %parallel_loop3A_195 = tpu.vector_load %arg11[%parallel_loop3A_193, %parallel_loop3A_194] {strides = array<i32>} : memref<128x128xf32, #tpu.memory_space<vmem>>, vector<1x16xf32>,
        %parallel_loop3A_196 = vector.shape_cast %parallel_loop3A_195 : vector<1x16xf32> to vector<16xf32>
        %parallel_loop3A_197 = vector.shape_cast %parallel_loop3A_192 : vector<16xf32> to vector<1x16xf32>
        tpu.vector_store %arg11[%parallel_loop3A_193, %parallel_loop3A_194], %parallel_loop3A_197 {strides = array<i32>} : memref<128x128xf32, #tpu.memory_space<vmem>>, vector<1x16xf32>,
        %parallel_loop3A_198 = arith.index_cast %parallel_loop3A_113 : i32 to index
        %parallel_loop3A_199 = arith.constant 96 : index
        %parallel_loop3A_200 = tpu.vector_load %arg11[%parallel_loop3A_198, %parallel_loop3A_199] {strides = array<i32>} : memref<128x128xf32, #tpu.memory_space<vmem>>, vector<1x16xf32>,
        %parallel_loop3A_201 = vector.shape_cast %parallel_loop3A_200 : vector<1x16xf32> to vector<16xf32>
        %parallel_loop3A_202 = arith.index_cast %parallel_loop3A_113 : i32 to index
        %parallel_loop3A_203 = arith.constant 96 : index
        %parallel_loop3A_204 = tpu.vector_load %arg10[%parallel_loop3A_202, %parallel_loop3A_203] {strides = array<i32>} : memref<128x128xf32, #tpu.memory_space<vmem>>, vector<1x16xf32>,
        %parallel_loop3A_205 = vector.shape_cast %parallel_loop3A_204 : vector<1x16xf32> to vector<16xf32>
        %parallel_loop3A_206 = arith.mulf %parallel_loop3A_201, %parallel_loop3A_205 : vector<16xf32>
        %parallel_loop3A_207 = arith.index_cast %parallel_loop3A_113 : i32 to index
        %parallel_loop3A_208 = arith.constant 96 : index
        %parallel_loop3A_209 = tpu.vector_load %arg11[%parallel_loop3A_207, %parallel_loop3A_208] {strides = array<i32>} : memref<128x128xf32, #tpu.memory_space<vmem>>, vector<1x16xf32>,
        %parallel_loop3A_210 = vector.shape_cast %parallel_loop3A_209 : vector<1x16xf32> to vector<16xf32>
        %parallel_loop3A_211 = vector.shape_cast %parallel_loop3A_206 : vector<16xf32> to vector<1x16xf32>
        tpu.vector_store %arg11[%parallel_loop3A_207, %parallel_loop3A_208], %parallel_loop3A_211 {strides = array<i32>} : memref<128x128xf32, #tpu.memory_space<vmem>>, vector<1x16xf32>,
        %parallel_loop3A_212 = arith.index_cast %parallel_loop3A_113 : i32 to index
        %parallel_loop3A_213 = arith.constant 112 : index
        %parallel_loop3A_214 = tpu.vector_load %arg11[%parallel_loop3A_212, %parallel_loop3A_213] {strides = array<i32>} : memref<128x128xf32, #tpu.memory_space<vmem>>, vector<1x16xf32>,
        %parallel_loop3A_215 = vector.shape_cast %parallel_loop3A_214 : vector<1x16xf32> to vector<16xf32>
        %parallel_loop3A_216 = arith.index_cast %parallel_loop3A_113 : i32 to index
        %parallel_loop3A_217 = arith.constant 112 : index
        %parallel_loop3A_218 = tpu.vector_load %arg10[%parallel_loop3A_216, %parallel_loop3A_217] {strides = array<i32>} : memref<128x128xf32, #tpu.memory_space<vmem>>, vector<1x16xf32>,
        %parallel_loop3A_219 = vector.shape_cast %parallel_loop3A_218 : vector<1x16xf32> to vector<16xf32>
        %parallel_loop3A_220 = arith.mulf %parallel_loop3A_215, %parallel_loop3A_219 : vector<16xf32>
        %parallel_loop3A_221 = arith.index_cast %parallel_loop3A_113 : i32 to index
        %parallel_loop3A_222 = arith.constant 112 : index
        %parallel_loop3A_223 = tpu.vector_load %arg11[%parallel_loop3A_221, %parallel_loop3A_222] {strides = array<i32>} : memref<128x128xf32, #tpu.memory_space<vmem>>, vector<1x16xf32>,
        %parallel_loop3A_224 = vector.shape_cast %parallel_loop3A_223 : vector<1x16xf32> to vector<16xf32>
        %parallel_loop3A_225 = vector.shape_cast %parallel_loop3A_220 : vector<16xf32> to vector<1x16xf32>
        tpu.vector_store %arg11[%parallel_loop3A_221, %parallel_loop3A_222], %parallel_loop3A_225 {strides = array<i32>} : memref<128x128xf32, #tpu.memory_space<vmem>>, vector<1x16xf32>,
      } {sc.loop_unroll_factor = 8 : i64, sc.parallel_access}
      %dma_start3A_100 = arith.constant 0 : i32
      %dma_start3A_101 = arith.constant 256 : i32
      %dma_start3A_102 = tpu.memref_slice %arg9[%dma_start3A_100, %dma_start3A_101] : memref<1x512xi32, #tpu.memory_space<vmem>> -> memref<1x128xi32, #tpu.memory_space<vmem>>
      %dma_start3A_103 = tpu.memref_squeeze %dma_start3A_102 : memref<1x128xi32, #tpu.memory_space<vmem>> -> memref<128xi32, #tpu.memory_space<vmem>>
      %dma_start3A_104 = arith.constant 0 : i32
      %dma_start3A_105 = arith.constant 0 : i32
      %dma_start3A_106 = tpu.memref_slice %arg12[%dma_start3A_104, %dma_start3A_105] : memref<10112x128xf32, #tpu.memory_space<vmem_shared>> -> memref<10112x128xf32, #tpu.memory_space<vmem_shared>>
      tpu.enqueue_indirect_dma source(%arg11 : memref<128x128xf32, #tpu.memory_space<vmem>>) target(%dma_start3A_106 : memref<10112x128xf32, #tpu.memory_space<vmem_shared>>) offsets(%dma_start3A_103 : memref<128xi32, #tpu.memory_space<vmem>>) semaphore(%arg15 : memref<!tpu.dma_semaphore, #tpu.memory_space<semaphore_mem>>) {add = true}
      %dma_start3A_107 = arith.constant 0 : i32
      %dma_start3A_108 = arith.constant 256 : i32
      %dma_start3A_109 = tpu.memref_slice %arg9[%dma_start3A_107, %dma_start3A_108] : memref<1x512xi32, #tpu.memory_space<vmem>> -> memref<1x128xi32, #tpu.memory_space<vmem>>
      %dma_start3A_110 = tpu.memref_squeeze %dma_start3A_109 : memref<1x128xi32, #tpu.memory_space<vmem>> -> memref<128xi32, #tpu.memory_space<vmem>>
      %dma_start3A_111 = arith.constant 0 : i32
      %dma_start3A_112 = tpu.memref_slice %arg17[%dma_start3A_111] : memref<10112xf32, #tpu.memory_space<vmem_shared>> -> memref<10112xf32, #tpu.memory_space<vmem_shared>>
      tpu.enqueue_indirect_dma source(%arg16 : memref<128xf32, #tpu.memory_space<vmem>>) target(%dma_start3A_112 : memref<10112xf32, #tpu.memory_space<vmem_shared>>) offsets(%dma_start3A_110 : memref<128xi32, #tpu.memory_space<vmem>>) semaphore(%arg19 : memref<!tpu.dma_semaphore, #tpu.memory_space<semaphore_mem>>) {add = true}
    }
    %scan3A_55 = arith.constant 79 : i32
    %dma_wait3A = arith.constant 0 : i32
    %dma_wait3A_56 = arith.constant 0 : i32
    %dma_wait3A_57 = tpu.memref_slice %arg3[%dma_wait3A, %dma_wait3A_56] : memref<323584x128xf32, #tpu.memory_space<hbm>> -> memref<128x128xf32, #tpu.memory_space<hbm>>
    %dma_wait3A_58 = arith.constant 0 : i32
    %dma_wait3A_59 = arith.constant 0 : i32
    %dma_wait3A_60 = tpu.memref_slice %arg3[%dma_wait3A_58, %dma_wait3A_59] : memref<323584x128xf32, #tpu.memory_space<hbm>> -> memref<128x128xf32, #tpu.memory_space<hbm>>
    tpu.wait_dma2 semaphore(%arg15 : memref<!tpu.dma_semaphore, #tpu.memory_space<semaphore_mem>>) src(%dma_wait3A_60 : memref<128x128xf32, #tpu.memory_space<hbm>>) dst(%arg11 : memref<128x128xf32, #tpu.memory_space<vmem>>)
    %dma_wait3A_61 = arith.constant 0 : i32
    %dma_wait3A_62 = tpu.memref_slice %arg6[%dma_wait3A_61] : memref<10112xf32, #tpu.memory_space<hbm>> -> memref<128xf32, #tpu.memory_space<hbm>>
    %dma_wait3A_63 = arith.constant 0 : i32
    %dma_wait3A_64 = tpu.memref_slice %arg6[%dma_wait3A_63] : memref<10112xf32, #tpu.memory_space<hbm>> -> memref<128xf32, #tpu.memory_space<hbm>>
    tpu.wait_dma2 semaphore(%arg19 : memref<!tpu.dma_semaphore, #tpu.memory_space<semaphore_mem>>) src(%dma_wait3A_64 : memref<128xf32, #tpu.memory_space<hbm>>) dst(%arg16 : memref<128xf32, #tpu.memory_space<vmem>>)
    %barrier3A_65 = arith.constant 0 : index
    tpu.barrier barrier_id(%barrier3A_65)
    "tpu.region"() ({
      %run_scoped3A = tpu.sem_alloc : memref<!tpu.dma_semaphore, #tpu.memory_space<semaphore_mem>>
      %dma_start3A = arith.constant 0 : i32
      %dma_start3A_70 = tpu.memref_slice %arg7[%arg0, %multiple_of3A, %dma_start3A] : memref<2x10112x128xf32, #tpu.memory_space<hbm>> -> memref<1x632x128xf32, #tpu.memory_space<hbm>>
      %dma_start3A_71 = tpu.memref_squeeze %dma_start3A_70 : memref<1x632x128xf32, #tpu.memory_space<hbm>> -> memref<632x128xf32, #tpu.memory_space<hbm>>
      %dma_start3A_72 = arith.constant 0 : i32
      %dma_start3A_73 = tpu.memref_slice %arg12[%multiple_of3A, %dma_start3A_72] : memref<10112x128xf32, #tpu.memory_space<vmem_shared>> -> memref<632x128xf32, #tpu.memory_space<vmem_shared>>
      tpu.enqueue_dma source(%dma_start3A_73 : memref<632x128xf32, #tpu.memory_space<vmem_shared>>) target(%dma_start3A_71 : memref<632x128xf32, #tpu.memory_space<hbm>>) target_semaphore(%run_scoped3A : memref<!tpu.dma_semaphore, #tpu.memory_space<semaphore_mem>>)
      %dma_wait3A_74 = arith.constant 0 : i32
      %dma_wait3A_75 = tpu.memref_slice %arg7[%arg0, %multiple_of3A, %dma_wait3A_74] : memref<2x10112x128xf32, #tpu.memory_space<hbm>> -> memref<1x632x128xf32, #tpu.memory_space<hbm>>
      %dma_wait3A_76 = tpu.memref_squeeze %dma_wait3A_75 : memref<1x632x128xf32, #tpu.memory_space<hbm>> -> memref<632x128xf32, #tpu.memory_space<hbm>>
      %dma_wait3A_77 = arith.constant 0 : i32
      %dma_wait3A_78 = tpu.memref_slice %arg12[%multiple_of3A, %dma_wait3A_77] : memref<10112x128xf32, #tpu.memory_space<vmem_shared>> -> memref<632x128xf32, #tpu.memory_space<vmem_shared>>
      tpu.wait_dma2 semaphore(%run_scoped3A : memref<!tpu.dma_semaphore, #tpu.memory_space<semaphore_mem>>) src(%dma_wait3A_78 : memref<632x128xf32, #tpu.memory_space<vmem_shared>>) dst(%dma_wait3A_76 : memref<632x128xf32, #tpu.memory_space<hbm>>)
      tpu.yield
    }) : () -> ()
    %mul3A_66 = arith.constant 10112 : i32
    %mul3A_67 = arith.muli %arg0, %mul3A_66 : i32
    %add3A_68 = arith.addi %mul3A_67, %multiple_of3A : i32
    %multiple_of3A_69 = tpu.assume_multiple %add3A_68, 8 : i32
    "tpu.region"() ({
      %run_scoped3A = tpu.sem_alloc : memref<!tpu.dma_semaphore, #tpu.memory_space<semaphore_mem>>
      %dma_start3A = tpu.memref_slice %arg17[%multiple_of3A] : memref<10112xf32, #tpu.memory_space<vmem_shared>> -> memref<632xf32, #tpu.memory_space<vmem_shared>>
      %dma_start3A_70 = tpu.memref_slice %arg17[%multiple_of3A] : memref<10112xf32, #tpu.memory_space<vmem_shared>> -> memref<632xf32, #tpu.memory_space<vmem_shared>>
      tpu.enqueue_dma source(%dma_start3A_70 : memref<632xf32, #tpu.memory_space<vmem_shared>>) target(%arg18 : memref<632xf32, #tpu.memory_space<vmem>>) target_semaphore(%run_scoped3A : memref<!tpu.dma_semaphore, #tpu.memory_space<semaphore_mem>>)
      %dma_wait3A_71 = tpu.memref_slice %arg17[%multiple_of3A] : memref<10112xf32, #tpu.memory_space<vmem_shared>> -> memref<632xf32, #tpu.memory_space<vmem_shared>>
      %dma_wait3A_72 = tpu.memref_slice %arg17[%multiple_of3A] : memref<10112xf32, #tpu.memory_space<vmem_shared>> -> memref<632xf32, #tpu.memory_space<vmem_shared>>
      tpu.wait_dma2 semaphore(%run_scoped3A : memref<!tpu.dma_semaphore, #tpu.memory_space<semaphore_mem>>) src(%dma_wait3A_72 : memref<632xf32, #tpu.memory_space<vmem_shared>>) dst(%arg18 : memref<632xf32, #tpu.memory_space<vmem>>)
      tpu.yield
    }) : () -> ()
    "tpu.region"() ({
      %run_scoped3A = tpu.sem_alloc : memref<!tpu.dma_semaphore, #tpu.memory_space<semaphore_mem>>
      %dma_start3A = tpu.memref_slice %arg8[%multiple_of3A_69] : memref<20224xf32, #tpu.memory_space<hbm>> -> memref<632xf32, #tpu.memory_space<hbm>>
      %dma_start3A_70 = tpu.memref_slice %arg8[%multiple_of3A_69] : memref<20224xf32, #tpu.memory_space<hbm>> -> memref<632xf32, #tpu.memory_space<hbm>>
      tpu.enqueue_dma source(%arg18 : memref<632xf32, #tpu.memory_space<vmem>>) target(%dma_start3A_70 : memref<632xf32, #tpu.memory_space<hbm>>) target_semaphore(%run_scoped3A : memref<!tpu.dma_semaphore, #tpu.memory_space<semaphore_mem>>)
      %dma_wait3A_71 = tpu.memref_slice %arg8[%multiple_of3A_69] : memref<20224xf32, #tpu.memory_space<hbm>> -> memref<632xf32, #tpu.memory_space<hbm>>
      %dma_wait3A_72 = tpu.memref_slice %arg8[%multiple_of3A_69] : memref<20224xf32, #tpu.memory_space<hbm>> -> memref<632xf32, #tpu.memory_space<hbm>>
      tpu.wait_dma2 semaphore(%run_scoped3A : memref<!tpu.dma_semaphore, #tpu.memory_space<semaphore_mem>>) src(%arg18 : memref<632xf32, #tpu.memory_space<vmem>>) dst(%dma_wait3A_72 : memref<632xf32, #tpu.memory_space<hbm>>)
      tpu.yield
    }) : () -> ()
    return
  }
}

#map = affine_map<(d0, d1) -> (0, 0)>
#map1 = affine_map<(d0, d1) -> (0, 0, 0)>
module attributes {stable_mosaic.version = 14 : i64} {
  func.func @body(%arg0: i32, %arg1: i32, %arg2: memref<10000x128xf32, #tpu.memory_space<hbm>>, %arg3: memref<323584x128xf32, #tpu.memory_space<hbm>>, %arg4: memref<32x79x512xi32, #tpu.memory_space<hbm>>, %arg5: memref<10112x128xf32, #tpu.memory_space<hbm>>, %arg6: memref<2x10112x128xf32, #tpu.memory_space<hbm>>, %arg7: memref<1x512xi32, #tpu.memory_space<vmem>>, %arg8: memref<128x128xf32, #tpu.memory_space<vmem>>, %arg9: memref<128x128xf32, #tpu.memory_space<vmem>>, %arg10: memref<10112x128xf32, #tpu.memory_space<vmem_shared>>, %arg11: memref<!tpu.dma_semaphore, #tpu.memory_space<semaphore_mem>>, %arg12: memref<!tpu.dma_semaphore, #tpu.memory_space<semaphore_mem>>, %arg13: memref<!tpu.dma_semaphore, #tpu.memory_space<semaphore_mem>>) attributes {dimension_semantics = [#tpu.dimension_semantics<core_parallel>, #tpu.dimension_semantics<subcore_parallel>], iteration_bounds = array<i64: 2, 16>, scalar_prefetch = 0 : i64, scratch_operands = 7 : i64, tpu.core_type = #tpu.core_type<sc_vector_subcore>, window_params = [{transform_indices = #map}, {transform_indices = #map}, {transform_indices = #map1}, {transform_indices = #map}, {transform_indices = #map1}]} {
    %mul3A = arith.constant 16 : i32
    %mul3A_0 = arith.muli %arg0, %mul3A : i32
    %add3A = arith.addi %mul3A_0, %arg1 : i32
    %mul3A_1 = arith.constant 632 : i32
    %mul3A_2 = arith.muli %arg1, %mul3A_1 : i32
    %multiple_of3A = tpu.assume_multiple %mul3A_2, 8 : i32
    "tpu.region"() ({
      %run_scoped3A = tpu.sem_alloc : memref<!tpu.dma_semaphore, #tpu.memory_space<semaphore_mem>>
      %dma_start3A = arith.constant 0 : i32
      %dma_start3A_16 = tpu.memref_slice %arg10[%multiple_of3A, %dma_start3A] : memref<10112x128xf32, #tpu.memory_space<vmem_shared>> -> memref<632x128xf32, #tpu.memory_space<vmem_shared>>
      %dma_start3A_17 = arith.constant 0 : i32
      %dma_start3A_18 = tpu.memref_slice %arg5[%multiple_of3A, %dma_start3A_17] : memref<10112x128xf32, #tpu.memory_space<hbm>> -> memref<632x128xf32, #tpu.memory_space<hbm>>
      tpu.enqueue_dma source(%dma_start3A_18 : memref<632x128xf32, #tpu.memory_space<hbm>>) target(%dma_start3A_16 : memref<632x128xf32, #tpu.memory_space<vmem_shared>>) target_semaphore(%run_scoped3A : memref<!tpu.dma_semaphore, #tpu.memory_space<semaphore_mem>>)
      %dma_wait3A_19 = arith.constant 0 : i32
      %dma_wait3A_20 = tpu.memref_slice %arg10[%multiple_of3A, %dma_wait3A_19] : memref<10112x128xf32, #tpu.memory_space<vmem_shared>> -> memref<632x128xf32, #tpu.memory_space<vmem_shared>>
      %dma_wait3A_21 = arith.constant 0 : i32
      %dma_wait3A_22 = tpu.memref_slice %arg5[%multiple_of3A, %dma_wait3A_21] : memref<10112x128xf32, #tpu.memory_space<hbm>> -> memref<632x128xf32, #tpu.memory_space<hbm>>
      tpu.wait_dma2 semaphore(%run_scoped3A : memref<!tpu.dma_semaphore, #tpu.memory_space<semaphore_mem>>) src(%dma_wait3A_22 : memref<632x128xf32, #tpu.memory_space<hbm>>) dst(%dma_wait3A_20 : memref<632x128xf32, #tpu.memory_space<vmem_shared>>)
      tpu.yield
    }) : () -> ()
    %barrier3A = arith.constant 0 : index
    tpu.barrier barrier_id(%barrier3A)
    %mul3A_3 = arith.constant 10112 : i32
    %mul3A_4 = arith.muli %add3A, %mul3A_3 : i32
    %scan3A = arith.constant 0 : i32
    %scan3A_5 = arith.constant 0 : i32
    %scan3A_6 = arith.constant 79 : i32
    %scan3A_7 = arith.addi %scan3A_5, %scan3A_6 : i32
    %scan3A_8 = arith.constant 1 : i32
    scf.for %scan3A_16 = %scan3A_5 to %scan3A_7 step %scan3A_8  : i32 {
      %ge3A = arith.constant 1 : i32
      %ge3A_17 = arith.cmpi sge, %scan3A_16, %ge3A : i32
      %convert_element_type3A = arith.extui %ge3A_17 : i1 to i32
      %cond3A = arith.constant 0 : i32
      %cond3A_18 = arith.cmpi ne, %convert_element_type3A, %cond3A : i32
      scf.if %cond3A_18 {
        %dma_wait3A_53 = arith.constant 0 : i32
        %dma_wait3A_54 = arith.constant 0 : i32
        %dma_wait3A_55 = tpu.memref_slice %arg3[%dma_wait3A_53, %dma_wait3A_54] : memref<323584x128xf32, #tpu.memory_space<hbm>> -> memref<128x128xf32, #tpu.memory_space<hbm>>
        %dma_wait3A_56 = arith.constant 0 : i32
        %dma_wait3A_57 = arith.constant 0 : i32
        %dma_wait3A_58 = tpu.memref_slice %arg3[%dma_wait3A_56, %dma_wait3A_57] : memref<323584x128xf32, #tpu.memory_space<hbm>> -> memref<128x128xf32, #tpu.memory_space<hbm>>
        tpu.wait_dma2 semaphore(%arg13 : memref<!tpu.dma_semaphore, #tpu.memory_space<semaphore_mem>>) src(%dma_wait3A_58 : memref<128x128xf32, #tpu.memory_space<hbm>>) dst(%arg9 : memref<128x128xf32, #tpu.memory_space<vmem>>)
      } else {
      }
      "tpu.region"() ({
        %run_scoped3A = tpu.sem_alloc : memref<!tpu.dma_semaphore, #tpu.memory_space<semaphore_mem>>
        %dma_start3A_53 = arith.constant 0 : i32
        %dma_start3A_54 = tpu.memref_slice %arg4[%add3A, %scan3A_16, %dma_start3A_53] : memref<32x79x512xi32, #tpu.memory_space<hbm>> -> memref<1x1x512xi32, #tpu.memory_space<hbm>>
        %dma_start3A_55 = tpu.memref_squeeze %dma_start3A_54 : memref<1x1x512xi32, #tpu.memory_space<hbm>> -> memref<1x512xi32, #tpu.memory_space<hbm>>
        %dma_start3A_56 = arith.constant 0 : i32
        %dma_start3A_57 = tpu.memref_slice %arg4[%add3A, %scan3A_16, %dma_start3A_56] : memref<32x79x512xi32, #tpu.memory_space<hbm>> -> memref<1x1x512xi32, #tpu.memory_space<hbm>>
        %dma_start3A_58 = tpu.memref_squeeze %dma_start3A_57 : memref<1x1x512xi32, #tpu.memory_space<hbm>> -> memref<1x512xi32, #tpu.memory_space<hbm>>
        tpu.enqueue_dma source(%dma_start3A_58 : memref<1x512xi32, #tpu.memory_space<hbm>>) target(%arg7 : memref<1x512xi32, #tpu.memory_space<vmem>>) target_semaphore(%run_scoped3A : memref<!tpu.dma_semaphore, #tpu.memory_space<semaphore_mem>>)
        %dma_wait3A_59 = arith.constant 0 : i32
        %dma_wait3A_60 = tpu.memref_slice %arg4[%add3A, %scan3A_16, %dma_wait3A_59] : memref<32x79x512xi32, #tpu.memory_space<hbm>> -> memref<1x1x512xi32, #tpu.memory_space<hbm>>
        %dma_wait3A_61 = tpu.memref_squeeze %dma_wait3A_60 : memref<1x1x512xi32, #tpu.memory_space<hbm>> -> memref<1x512xi32, #tpu.memory_space<hbm>>
        %dma_wait3A_62 = arith.constant 0 : i32
        %dma_wait3A_63 = tpu.memref_slice %arg4[%add3A, %scan3A_16, %dma_wait3A_62] : memref<32x79x512xi32, #tpu.memory_space<hbm>> -> memref<1x1x512xi32, #tpu.memory_space<hbm>>
        %dma_wait3A_64 = tpu.memref_squeeze %dma_wait3A_63 : memref<1x1x512xi32, #tpu.memory_space<hbm>> -> memref<1x512xi32, #tpu.memory_space<hbm>>
        tpu.wait_dma2 semaphore(%run_scoped3A : memref<!tpu.dma_semaphore, #tpu.memory_space<semaphore_mem>>) src(%dma_wait3A_64 : memref<1x512xi32, #tpu.memory_space<hbm>>) dst(%arg7 : memref<1x512xi32, #tpu.memory_space<vmem>>)
        tpu.yield
      }) : () -> ()
      %mul3A_19 = arith.constant 128 : i32
      %mul3A_20 = arith.muli %scan3A_16, %mul3A_19 : i32
      %add3A_21 = arith.addi %mul3A_4, %mul3A_20 : i32
      %dma_start3A = arith.constant 0 : i32
      %dma_start3A_22 = tpu.memref_slice %arg3[%add3A_21, %dma_start3A] : memref<323584x128xf32, #tpu.memory_space<hbm>> -> memref<128x128xf32, #tpu.memory_space<hbm>>
      %dma_start3A_23 = arith.constant 0 : i32
      %dma_start3A_24 = tpu.memref_slice %arg3[%add3A_21, %dma_start3A_23] : memref<323584x128xf32, #tpu.memory_space<hbm>> -> memref<128x128xf32, #tpu.memory_space<hbm>>
      tpu.enqueue_dma source(%dma_start3A_24 : memref<128x128xf32, #tpu.memory_space<hbm>>) target(%arg8 : memref<128x128xf32, #tpu.memory_space<vmem>>) target_semaphore(%arg11 : memref<!tpu.dma_semaphore, #tpu.memory_space<semaphore_mem>>)
      %dma_start3A_25 = arith.constant 0 : i32
      %dma_start3A_26 = arith.constant 0 : i32
      %dma_start3A_27 = tpu.memref_slice %arg7[%dma_start3A_25, %dma_start3A_26] : memref<1x512xi32, #tpu.memory_space<vmem>> -> memref<1x128xi32, #tpu.memory_space<vmem>>
      %dma_start3A_28 = tpu.memref_squeeze %dma_start3A_27 : memref<1x128xi32, #tpu.memory_space<vmem>> -> memref<128xi32, #tpu.memory_space<vmem>>
      %dma_start3A_29 = arith.constant 0 : i32
      %dma_start3A_30 = arith.constant 0 : i32
      %dma_start3A_31 = tpu.memref_slice %arg2[%dma_start3A_29, %dma_start3A_30] : memref<10000x128xf32, #tpu.memory_space<hbm>> -> memref<10000x128xf32, #tpu.memory_space<hbm>>
      tpu.enqueue_indirect_dma source(%dma_start3A_31 : memref<10000x128xf32, #tpu.memory_space<hbm>>) target(%arg9 : memref<128x128xf32, #tpu.memory_space<vmem>>) offsets(%dma_start3A_28 : memref<128xi32, #tpu.memory_space<vmem>>) semaphore(%arg12 : memref<!tpu.dma_semaphore, #tpu.memory_space<semaphore_mem>>)
      %dma_wait3A_32 = arith.constant 0 : i32
      %dma_wait3A_33 = arith.constant 0 : i32
      %dma_wait3A_34 = tpu.memref_slice %arg3[%dma_wait3A_32, %dma_wait3A_33] : memref<323584x128xf32, #tpu.memory_space<hbm>> -> memref<128x128xf32, #tpu.memory_space<hbm>>
      %dma_wait3A_35 = arith.constant 0 : i32
      %dma_wait3A_36 = arith.constant 0 : i32
      %dma_wait3A_37 = tpu.memref_slice %arg3[%dma_wait3A_35, %dma_wait3A_36] : memref<323584x128xf32, #tpu.memory_space<hbm>> -> memref<128x128xf32, #tpu.memory_space<hbm>>
      tpu.wait_dma2 semaphore(%arg12 : memref<!tpu.dma_semaphore, #tpu.memory_space<semaphore_mem>>) src(%dma_wait3A_37 : memref<128x128xf32, #tpu.memory_space<hbm>>) dst(%arg9 : memref<128x128xf32, #tpu.memory_space<vmem>>)
      %dma_wait3A_38 = arith.constant 0 : i32
      %dma_wait3A_39 = arith.constant 0 : i32
      %dma_wait3A_40 = tpu.memref_slice %arg3[%dma_wait3A_38, %dma_wait3A_39] : memref<323584x128xf32, #tpu.memory_space<hbm>> -> memref<128x128xf32, #tpu.memory_space<hbm>>
      %dma_wait3A_41 = arith.constant 0 : i32
      %dma_wait3A_42 = arith.constant 0 : i32
      %dma_wait3A_43 = tpu.memref_slice %arg3[%dma_wait3A_41, %dma_wait3A_42] : memref<323584x128xf32, #tpu.memory_space<hbm>> -> memref<128x128xf32, #tpu.memory_space<hbm>>
      tpu.wait_dma2 semaphore(%arg11 : memref<!tpu.dma_semaphore, #tpu.memory_space<semaphore_mem>>) src(%dma_wait3A_43 : memref<128x128xf32, #tpu.memory_space<hbm>>) dst(%arg8 : memref<128x128xf32, #tpu.memory_space<vmem>>)
      %parallel_loop3A = arith.constant 0 : i32
      %parallel_loop3A_44 = arith.constant 128 : i32
      %parallel_loop3A_45 = arith.constant 1 : i32
      scf.for %parallel_loop3A_53 = %parallel_loop3A to %parallel_loop3A_44 step %parallel_loop3A_45  : i32 {
        %parallel_loop3A_54 = arith.index_cast %parallel_loop3A_53 : i32 to index
        %parallel_loop3A_55 = arith.constant 0 : index
        %parallel_loop3A_56 = tpu.vector_load %arg9[%parallel_loop3A_54, %parallel_loop3A_55] {strides = array<i32>} : memref<128x128xf32, #tpu.memory_space<vmem>>, vector<1x16xf32>,
        %parallel_loop3A_57 = vector.shape_cast %parallel_loop3A_56 : vector<1x16xf32> to vector<16xf32>
        %parallel_loop3A_58 = arith.index_cast %parallel_loop3A_53 : i32 to index
        %parallel_loop3A_59 = arith.constant 0 : index
        %parallel_loop3A_60 = tpu.vector_load %arg8[%parallel_loop3A_58, %parallel_loop3A_59] {strides = array<i32>} : memref<128x128xf32, #tpu.memory_space<vmem>>, vector<1x16xf32>,
        %parallel_loop3A_61 = vector.shape_cast %parallel_loop3A_60 : vector<1x16xf32> to vector<16xf32>
        %parallel_loop3A_62 = arith.mulf %parallel_loop3A_57, %parallel_loop3A_61 : vector<16xf32>
        %parallel_loop3A_63 = arith.index_cast %parallel_loop3A_53 : i32 to index
        %parallel_loop3A_64 = arith.constant 0 : index
        %parallel_loop3A_65 = tpu.vector_load %arg9[%parallel_loop3A_63, %parallel_loop3A_64] {strides = array<i32>} : memref<128x128xf32, #tpu.memory_space<vmem>>, vector<1x16xf32>,
        %parallel_loop3A_66 = vector.shape_cast %parallel_loop3A_65 : vector<1x16xf32> to vector<16xf32>
        %parallel_loop3A_67 = vector.shape_cast %parallel_loop3A_62 : vector<16xf32> to vector<1x16xf32>
        tpu.vector_store %arg9[%parallel_loop3A_63, %parallel_loop3A_64], %parallel_loop3A_67 {strides = array<i32>} : memref<128x128xf32, #tpu.memory_space<vmem>>, vector<1x16xf32>,
        %parallel_loop3A_68 = arith.index_cast %parallel_loop3A_53 : i32 to index
        %parallel_loop3A_69 = arith.constant 16 : index
        %parallel_loop3A_70 = tpu.vector_load %arg9[%parallel_loop3A_68, %parallel_loop3A_69] {strides = array<i32>} : memref<128x128xf32, #tpu.memory_space<vmem>>, vector<1x16xf32>,
        %parallel_loop3A_71 = vector.shape_cast %parallel_loop3A_70 : vector<1x16xf32> to vector<16xf32>
        %parallel_loop3A_72 = arith.index_cast %parallel_loop3A_53 : i32 to index
        %parallel_loop3A_73 = arith.constant 16 : index
        %parallel_loop3A_74 = tpu.vector_load %arg8[%parallel_loop3A_72, %parallel_loop3A_73] {strides = array<i32>} : memref<128x128xf32, #tpu.memory_space<vmem>>, vector<1x16xf32>,
        %parallel_loop3A_75 = vector.shape_cast %parallel_loop3A_74 : vector<1x16xf32> to vector<16xf32>
        %parallel_loop3A_76 = arith.mulf %parallel_loop3A_71, %parallel_loop3A_75 : vector<16xf32>
        %parallel_loop3A_77 = arith.index_cast %parallel_loop3A_53 : i32 to index
        %parallel_loop3A_78 = arith.constant 16 : index
        %parallel_loop3A_79 = tpu.vector_load %arg9[%parallel_loop3A_77, %parallel_loop3A_78] {strides = array<i32>} : memref<128x128xf32, #tpu.memory_space<vmem>>, vector<1x16xf32>,
        %parallel_loop3A_80 = vector.shape_cast %parallel_loop3A_79 : vector<1x16xf32> to vector<16xf32>
        %parallel_loop3A_81 = vector.shape_cast %parallel_loop3A_76 : vector<16xf32> to vector<1x16xf32>
        tpu.vector_store %arg9[%parallel_loop3A_77, %parallel_loop3A_78], %parallel_loop3A_81 {strides = array<i32>} : memref<128x128xf32, #tpu.memory_space<vmem>>, vector<1x16xf32>,
        %parallel_loop3A_82 = arith.index_cast %parallel_loop3A_53 : i32 to index
        %parallel_loop3A_83 = arith.constant 32 : index
        %parallel_loop3A_84 = tpu.vector_load %arg9[%parallel_loop3A_82, %parallel_loop3A_83] {strides = array<i32>} : memref<128x128xf32, #tpu.memory_space<vmem>>, vector<1x16xf32>,
        %parallel_loop3A_85 = vector.shape_cast %parallel_loop3A_84 : vector<1x16xf32> to vector<16xf32>
        %parallel_loop3A_86 = arith.index_cast %parallel_loop3A_53 : i32 to index
        %parallel_loop3A_87 = arith.constant 32 : index
        %parallel_loop3A_88 = tpu.vector_load %arg8[%parallel_loop3A_86, %parallel_loop3A_87] {strides = array<i32>} : memref<128x128xf32, #tpu.memory_space<vmem>>, vector<1x16xf32>,
        %parallel_loop3A_89 = vector.shape_cast %parallel_loop3A_88 : vector<1x16xf32> to vector<16xf32>
        %parallel_loop3A_90 = arith.mulf %parallel_loop3A_85, %parallel_loop3A_89 : vector<16xf32>
        %parallel_loop3A_91 = arith.index_cast %parallel_loop3A_53 : i32 to index
        %parallel_loop3A_92 = arith.constant 32 : index
        %parallel_loop3A_93 = tpu.vector_load %arg9[%parallel_loop3A_91, %parallel_loop3A_92] {strides = array<i32>} : memref<128x128xf32, #tpu.memory_space<vmem>>, vector<1x16xf32>,
        %parallel_loop3A_94 = vector.shape_cast %parallel_loop3A_93 : vector<1x16xf32> to vector<16xf32>
        %parallel_loop3A_95 = vector.shape_cast %parallel_loop3A_90 : vector<16xf32> to vector<1x16xf32>
        tpu.vector_store %arg9[%parallel_loop3A_91, %parallel_loop3A_92], %parallel_loop3A_95 {strides = array<i32>} : memref<128x128xf32, #tpu.memory_space<vmem>>, vector<1x16xf32>,
        %parallel_loop3A_96 = arith.index_cast %parallel_loop3A_53 : i32 to index
        %parallel_loop3A_97 = arith.constant 48 : index
        %parallel_loop3A_98 = tpu.vector_load %arg9[%parallel_loop3A_96, %parallel_loop3A_97] {strides = array<i32>} : memref<128x128xf32, #tpu.memory_space<vmem>>, vector<1x16xf32>,
        %parallel_loop3A_99 = vector.shape_cast %parallel_loop3A_98 : vector<1x16xf32> to vector<16xf32>
        %parallel_loop3A_100 = arith.index_cast %parallel_loop3A_53 : i32 to index
        %parallel_loop3A_101 = arith.constant 48 : index
        %parallel_loop3A_102 = tpu.vector_load %arg8[%parallel_loop3A_100, %parallel_loop3A_101] {strides = array<i32>} : memref<128x128xf32, #tpu.memory_space<vmem>>, vector<1x16xf32>,
        %parallel_loop3A_103 = vector.shape_cast %parallel_loop3A_102 : vector<1x16xf32> to vector<16xf32>
        %parallel_loop3A_104 = arith.mulf %parallel_loop3A_99, %parallel_loop3A_103 : vector<16xf32>
        %parallel_loop3A_105 = arith.index_cast %parallel_loop3A_53 : i32 to index
        %parallel_loop3A_106 = arith.constant 48 : index
        %parallel_loop3A_107 = tpu.vector_load %arg9[%parallel_loop3A_105, %parallel_loop3A_106] {strides = array<i32>} : memref<128x128xf32, #tpu.memory_space<vmem>>, vector<1x16xf32>,
        %parallel_loop3A_108 = vector.shape_cast %parallel_loop3A_107 : vector<1x16xf32> to vector<16xf32>
        %parallel_loop3A_109 = vector.shape_cast %parallel_loop3A_104 : vector<16xf32> to vector<1x16xf32>
        tpu.vector_store %arg9[%parallel_loop3A_105, %parallel_loop3A_106], %parallel_loop3A_109 {strides = array<i32>} : memref<128x128xf32, #tpu.memory_space<vmem>>, vector<1x16xf32>,
        %parallel_loop3A_110 = arith.index_cast %parallel_loop3A_53 : i32 to index
        %parallel_loop3A_111 = arith.constant 64 : index
        %parallel_loop3A_112 = tpu.vector_load %arg9[%parallel_loop3A_110, %parallel_loop3A_111] {strides = array<i32>} : memref<128x128xf32, #tpu.memory_space<vmem>>, vector<1x16xf32>,
        %parallel_loop3A_113 = vector.shape_cast %parallel_loop3A_112 : vector<1x16xf32> to vector<16xf32>
        %parallel_loop3A_114 = arith.index_cast %parallel_loop3A_53 : i32 to index
        %parallel_loop3A_115 = arith.constant 64 : index
        %parallel_loop3A_116 = tpu.vector_load %arg8[%parallel_loop3A_114, %parallel_loop3A_115] {strides = array<i32>} : memref<128x128xf32, #tpu.memory_space<vmem>>, vector<1x16xf32>,
        %parallel_loop3A_117 = vector.shape_cast %parallel_loop3A_116 : vector<1x16xf32> to vector<16xf32>
        %parallel_loop3A_118 = arith.mulf %parallel_loop3A_113, %parallel_loop3A_117 : vector<16xf32>
        %parallel_loop3A_119 = arith.index_cast %parallel_loop3A_53 : i32 to index
        %parallel_loop3A_120 = arith.constant 64 : index
        %parallel_loop3A_121 = tpu.vector_load %arg9[%parallel_loop3A_119, %parallel_loop3A_120] {strides = array<i32>} : memref<128x128xf32, #tpu.memory_space<vmem>>, vector<1x16xf32>,
        %parallel_loop3A_122 = vector.shape_cast %parallel_loop3A_121 : vector<1x16xf32> to vector<16xf32>
        %parallel_loop3A_123 = vector.shape_cast %parallel_loop3A_118 : vector<16xf32> to vector<1x16xf32>
        tpu.vector_store %arg9[%parallel_loop3A_119, %parallel_loop3A_120], %parallel_loop3A_123 {strides = array<i32>} : memref<128x128xf32, #tpu.memory_space<vmem>>, vector<1x16xf32>,
        %parallel_loop3A_124 = arith.index_cast %parallel_loop3A_53 : i32 to index
        %parallel_loop3A_125 = arith.constant 80 : index
        %parallel_loop3A_126 = tpu.vector_load %arg9[%parallel_loop3A_124, %parallel_loop3A_125] {strides = array<i32>} : memref<128x128xf32, #tpu.memory_space<vmem>>, vector<1x16xf32>,
        %parallel_loop3A_127 = vector.shape_cast %parallel_loop3A_126 : vector<1x16xf32> to vector<16xf32>
        %parallel_loop3A_128 = arith.index_cast %parallel_loop3A_53 : i32 to index
        %parallel_loop3A_129 = arith.constant 80 : index
        %parallel_loop3A_130 = tpu.vector_load %arg8[%parallel_loop3A_128, %parallel_loop3A_129] {strides = array<i32>} : memref<128x128xf32, #tpu.memory_space<vmem>>, vector<1x16xf32>,
        %parallel_loop3A_131 = vector.shape_cast %parallel_loop3A_130 : vector<1x16xf32> to vector<16xf32>
        %parallel_loop3A_132 = arith.mulf %parallel_loop3A_127, %parallel_loop3A_131 : vector<16xf32>
        %parallel_loop3A_133 = arith.index_cast %parallel_loop3A_53 : i32 to index
        %parallel_loop3A_134 = arith.constant 80 : index
        %parallel_loop3A_135 = tpu.vector_load %arg9[%parallel_loop3A_133, %parallel_loop3A_134] {strides = array<i32>} : memref<128x128xf32, #tpu.memory_space<vmem>>, vector<1x16xf32>,
        %parallel_loop3A_136 = vector.shape_cast %parallel_loop3A_135 : vector<1x16xf32> to vector<16xf32>
        %parallel_loop3A_137 = vector.shape_cast %parallel_loop3A_132 : vector<16xf32> to vector<1x16xf32>
        tpu.vector_store %arg9[%parallel_loop3A_133, %parallel_loop3A_134], %parallel_loop3A_137 {strides = array<i32>} : memref<128x128xf32, #tpu.memory_space<vmem>>, vector<1x16xf32>,
        %parallel_loop3A_138 = arith.index_cast %parallel_loop3A_53 : i32 to index
        %parallel_loop3A_139 = arith.constant 96 : index
        %parallel_loop3A_140 = tpu.vector_load %arg9[%parallel_loop3A_138, %parallel_loop3A_139] {strides = array<i32>} : memref<128x128xf32, #tpu.memory_space<vmem>>, vector<1x16xf32>,
        %parallel_loop3A_141 = vector.shape_cast %parallel_loop3A_140 : vector<1x16xf32> to vector<16xf32>
        %parallel_loop3A_142 = arith.index_cast %parallel_loop3A_53 : i32 to index
        %parallel_loop3A_143 = arith.constant 96 : index
        %parallel_loop3A_144 = tpu.vector_load %arg8[%parallel_loop3A_142, %parallel_loop3A_143] {strides = array<i32>} : memref<128x128xf32, #tpu.memory_space<vmem>>, vector<1x16xf32>,
        %parallel_loop3A_145 = vector.shape_cast %parallel_loop3A_144 : vector<1x16xf32> to vector<16xf32>
        %parallel_loop3A_146 = arith.mulf %parallel_loop3A_141, %parallel_loop3A_145 : vector<16xf32>
        %parallel_loop3A_147 = arith.index_cast %parallel_loop3A_53 : i32 to index
        %parallel_loop3A_148 = arith.constant 96 : index
        %parallel_loop3A_149 = tpu.vector_load %arg9[%parallel_loop3A_147, %parallel_loop3A_148] {strides = array<i32>} : memref<128x128xf32, #tpu.memory_space<vmem>>, vector<1x16xf32>,
        %parallel_loop3A_150 = vector.shape_cast %parallel_loop3A_149 : vector<1x16xf32> to vector<16xf32>
        %parallel_loop3A_151 = vector.shape_cast %parallel_loop3A_146 : vector<16xf32> to vector<1x16xf32>
        tpu.vector_store %arg9[%parallel_loop3A_147, %parallel_loop3A_148], %parallel_loop3A_151 {strides = array<i32>} : memref<128x128xf32, #tpu.memory_space<vmem>>, vector<1x16xf32>,
        %parallel_loop3A_152 = arith.index_cast %parallel_loop3A_53 : i32 to index
        %parallel_loop3A_153 = arith.constant 112 : index
        %parallel_loop3A_154 = tpu.vector_load %arg9[%parallel_loop3A_152, %parallel_loop3A_153] {strides = array<i32>} : memref<128x128xf32, #tpu.memory_space<vmem>>, vector<1x16xf32>,
        %parallel_loop3A_155 = vector.shape_cast %parallel_loop3A_154 : vector<1x16xf32> to vector<16xf32>
        %parallel_loop3A_156 = arith.index_cast %parallel_loop3A_53 : i32 to index
        %parallel_loop3A_157 = arith.constant 112 : index
        %parallel_loop3A_158 = tpu.vector_load %arg8[%parallel_loop3A_156, %parallel_loop3A_157] {strides = array<i32>} : memref<128x128xf32, #tpu.memory_space<vmem>>, vector<1x16xf32>,
        %parallel_loop3A_159 = vector.shape_cast %parallel_loop3A_158 : vector<1x16xf32> to vector<16xf32>
        %parallel_loop3A_160 = arith.mulf %parallel_loop3A_155, %parallel_loop3A_159 : vector<16xf32>
        %parallel_loop3A_161 = arith.index_cast %parallel_loop3A_53 : i32 to index
        %parallel_loop3A_162 = arith.constant 112 : index
        %parallel_loop3A_163 = tpu.vector_load %arg9[%parallel_loop3A_161, %parallel_loop3A_162] {strides = array<i32>} : memref<128x128xf32, #tpu.memory_space<vmem>>, vector<1x16xf32>,
        %parallel_loop3A_164 = vector.shape_cast %parallel_loop3A_163 : vector<1x16xf32> to vector<16xf32>
        %parallel_loop3A_165 = vector.shape_cast %parallel_loop3A_160 : vector<16xf32> to vector<1x16xf32>
        tpu.vector_store %arg9[%parallel_loop3A_161, %parallel_loop3A_162], %parallel_loop3A_165 {strides = array<i32>} : memref<128x128xf32, #tpu.memory_space<vmem>>, vector<1x16xf32>,
      } {sc.loop_unroll_factor = 8 : i64, sc.parallel_access}
      %dma_start3A_46 = arith.constant 0 : i32
      %dma_start3A_47 = arith.constant 256 : i32
      %dma_start3A_48 = tpu.memref_slice %arg7[%dma_start3A_46, %dma_start3A_47] : memref<1x512xi32, #tpu.memory_space<vmem>> -> memref<1x128xi32, #tpu.memory_space<vmem>>
      %dma_start3A_49 = tpu.memref_squeeze %dma_start3A_48 : memref<1x128xi32, #tpu.memory_space<vmem>> -> memref<128xi32, #tpu.memory_space<vmem>>
      %dma_start3A_50 = arith.constant 0 : i32
      %dma_start3A_51 = arith.constant 0 : i32
      %dma_start3A_52 = tpu.memref_slice %arg10[%dma_start3A_50, %dma_start3A_51] : memref<10112x128xf32, #tpu.memory_space<vmem_shared>> -> memref<10112x128xf32, #tpu.memory_space<vmem_shared>>
      tpu.enqueue_indirect_dma source(%arg9 : memref<128x128xf32, #tpu.memory_space<vmem>>) target(%dma_start3A_52 : memref<10112x128xf32, #tpu.memory_space<vmem_shared>>) offsets(%dma_start3A_49 : memref<128xi32, #tpu.memory_space<vmem>>) semaphore(%arg13 : memref<!tpu.dma_semaphore, #tpu.memory_space<semaphore_mem>>) {add = true}
    }
    %scan3A_9 = arith.constant 79 : i32
    %dma_wait3A = arith.constant 0 : i32
    %dma_wait3A_10 = arith.constant 0 : i32
    %dma_wait3A_11 = tpu.memref_slice %arg3[%dma_wait3A, %dma_wait3A_10] : memref<323584x128xf32, #tpu.memory_space<hbm>> -> memref<128x128xf32, #tpu.memory_space<hbm>>
    %dma_wait3A_12 = arith.constant 0 : i32
    %dma_wait3A_13 = arith.constant 0 : i32
    %dma_wait3A_14 = tpu.memref_slice %arg3[%dma_wait3A_12, %dma_wait3A_13] : memref<323584x128xf32, #tpu.memory_space<hbm>> -> memref<128x128xf32, #tpu.memory_space<hbm>>
    tpu.wait_dma2 semaphore(%arg13 : memref<!tpu.dma_semaphore, #tpu.memory_space<semaphore_mem>>) src(%dma_wait3A_14 : memref<128x128xf32, #tpu.memory_space<hbm>>) dst(%arg9 : memref<128x128xf32, #tpu.memory_space<vmem>>)
    %barrier3A_15 = arith.constant 0 : index
    tpu.barrier barrier_id(%barrier3A_15)
    "tpu.region"() ({
      %run_scoped3A = tpu.sem_alloc : memref<!tpu.dma_semaphore, #tpu.memory_space<semaphore_mem>>
      %dma_start3A = arith.constant 0 : i32
      %dma_start3A_16 = tpu.memref_slice %arg6[%arg0, %multiple_of3A, %dma_start3A] : memref<2x10112x128xf32, #tpu.memory_space<hbm>> -> memref<1x632x128xf32, #tpu.memory_space<hbm>>
      %dma_start3A_17 = tpu.memref_squeeze %dma_start3A_16 : memref<1x632x128xf32, #tpu.memory_space<hbm>> -> memref<632x128xf32, #tpu.memory_space<hbm>>
      %dma_start3A_18 = arith.constant 0 : i32
      %dma_start3A_19 = tpu.memref_slice %arg10[%multiple_of3A, %dma_start3A_18] : memref<10112x128xf32, #tpu.memory_space<vmem_shared>> -> memref<632x128xf32, #tpu.memory_space<vmem_shared>>
      tpu.enqueue_dma source(%dma_start3A_19 : memref<632x128xf32, #tpu.memory_space<vmem_shared>>) target(%dma_start3A_17 : memref<632x128xf32, #tpu.memory_space<hbm>>) target_semaphore(%run_scoped3A : memref<!tpu.dma_semaphore, #tpu.memory_space<semaphore_mem>>)
      %dma_wait3A_20 = arith.constant 0 : i32
      %dma_wait3A_21 = tpu.memref_slice %arg6[%arg0, %multiple_of3A, %dma_wait3A_20] : memref<2x10112x128xf32, #tpu.memory_space<hbm>> -> memref<1x632x128xf32, #tpu.memory_space<hbm>>
      %dma_wait3A_22 = tpu.memref_squeeze %dma_wait3A_21 : memref<1x632x128xf32, #tpu.memory_space<hbm>> -> memref<632x128xf32, #tpu.memory_space<hbm>>
      %dma_wait3A_23 = arith.constant 0 : i32
      %dma_wait3A_24 = tpu.memref_slice %arg10[%multiple_of3A, %dma_wait3A_23] : memref<10112x128xf32, #tpu.memory_space<vmem_shared>> -> memref<632x128xf32, #tpu.memory_space<vmem_shared>>
      tpu.wait_dma2 semaphore(%run_scoped3A : memref<!tpu.dma_semaphore, #tpu.memory_space<semaphore_mem>>) src(%dma_wait3A_24 : memref<632x128xf32, #tpu.memory_space<vmem_shared>>) dst(%dma_wait3A_22 : memref<632x128xf32, #tpu.memory_space<hbm>>)
      tpu.yield
    }) : () -> ()
    return
  }
}

module attributes {stable_mosaic.version = 14 : i64} {
  func.func @body(%arg0: i32, %arg1: memref<2000x128xf32, #tpu.memory_space<vmem>>, %arg2: memref<2000x128xf32, #tpu.memory_space<vmem>>) attributes {dimension_semantics = [#tpu.dimension_semantics<arbitrary>], iteration_bounds = array<i64: 5>, scalar_prefetch = 0 : i64, scratch_operands = 0 : i64, tpu.core_type = #tpu.core_type<tc>, window_params = [{transform_indices = @transform_0, window_bounds = array<i64: 2000, 128>}, {transform_indices = @transform_1, window_bounds = array<i64: 2000, 128>}]} {
    %get3A = arith.constant 0 : index
    %get3A_0 = arith.constant 0 : index
    %get3A_1 = vector.load %arg1[%get3A, %get3A_0] : memref<2000x128xf32, #tpu.memory_space<vmem>>, vector<2000x128xf32>
    %reduce_max3A = arith.constant dense<0xFF800000> : vector<2000xf32>
    %reduce_max3A_2 = vector.multi_reduction <maximumf>, %get3A_1, %reduce_max3A [1] : vector<2000x128xf32> to vector<2000xf32>
    %broadcast_in_dim3A = vector.shape_cast %reduce_max3A_2 : vector<2000xf32> to vector<2000x1xf32>
    %sub3A = vector.broadcast %broadcast_in_dim3A : vector<2000x1xf32> to vector<2000x128xf32>
    %sub3A_3 = arith.subf %get3A_1, %sub3A : vector<2000x128xf32>
    %exp3A = math.exp %sub3A_3 : vector<2000x128xf32>
    %reduce_sum3A = arith.constant dense<0.000000e+00> : vector<2000xf32>
    %reduce_sum3A_4 = vector.multi_reduction <add>, %exp3A, %reduce_sum3A [1] : vector<2000x128xf32> to vector<2000xf32>
    %broadcast_in_dim3A_5 = vector.shape_cast %reduce_sum3A_4 : vector<2000xf32> to vector<2000x1xf32>
    %div3A = vector.broadcast %broadcast_in_dim3A_5 : vector<2000x1xf32> to vector<2000x128xf32>
    %div3A_6 = arith.divf %exp3A, %div3A : vector<2000x128xf32>
    %swap3A = arith.constant 0 : index
    %swap3A_7 = arith.constant 0 : index
    %swap3A_8 = vector.load %arg2[%swap3A, %swap3A_7] : memref<2000x128xf32, #tpu.memory_space<vmem>>, vector<2000x128xf32>
    tpu.vector_store %arg2[%swap3A, %swap3A_7], %div3A_6 {strides = array<i32>} : memref<2000x128xf32, #tpu.memory_space<vmem>>, vector<2000x128xf32>,
    return
  }
  func.func @transform_0(%arg0: i32) -> (i32, i32) {
    %c0_i32 = arith.constant 0 : i32
    %c0_i32_0 = arith.constant 0 : i32
    return %arg0, %c0_i32 : i32, i32
  }
  func.func @transform_1(%arg0: i32) -> (i32, i32) {
    %c0_i32 = arith.constant 0 : i32
    %c0_i32_0 = arith.constant 0 : i32
    return %arg0, %c0_i32 : i32, i32
  }
}

module attributes {stable_mosaic.version = 14 : i64} {
  func.func @body(%arg0: i32, %arg1: memref<2048x16xf32, #tpu.memory_space<vmem>>, %arg2: memref<16x64xf32, #tpu.memory_space<vmem>>, %arg3: memref<1x64xf32, #tpu.memory_space<vmem>>, %arg4: memref<64x128xf32, #tpu.memory_space<vmem>>, %arg5: memref<1x128xf32, #tpu.memory_space<vmem>>, %arg6: memref<2048x128xf32, #tpu.memory_space<vmem>>) attributes {dimension_semantics = [#tpu.dimension_semantics<arbitrary>], iteration_bounds = array<i64: 158>, scalar_prefetch = 0 : i64, scratch_operands = 0 : i64, tpu.core_type = #tpu.core_type<tc>, window_params = [{transform_indices = @transform_0, window_bounds = array<i64: 2048, 16>}, {pipeline_mode = #tpu.pipeline_mode<synchronous>, transform_indices = @transform_1, window_bounds = array<i64: 16, 64>}, {pipeline_mode = #tpu.pipeline_mode<synchronous>, transform_indices = @transform_2, window_bounds = array<i64: 1, 64>}, {pipeline_mode = #tpu.pipeline_mode<synchronous>, transform_indices = @transform_3, window_bounds = array<i64: 64, 128>}, {pipeline_mode = #tpu.pipeline_mode<synchronous>, transform_indices = @transform_4, window_bounds = array<i64: 1, 128>}, {transform_indices = @transform_5, window_bounds = array<i64: 2048, 128>}]} {
    %get3A = arith.constant 0 : index
    %get3A_0 = arith.constant 0 : index
    %get3A_1 = vector.load %arg1[%get3A, %get3A_0] : memref<2048x16xf32, #tpu.memory_space<vmem>>, vector<2048x16xf32>
    %get3A_2 = arith.constant 0 : index
    %get3A_3 = arith.constant 0 : index
    %get3A_4 = vector.load %arg2[%get3A_2, %get3A_3] : memref<16x64xf32, #tpu.memory_space<vmem>>, vector<16x64xf32>
    %dot_general3A = arith.constant dense<0.000000e+00> : vector<2048x64xf32>
    %dot_general3A_5 = tpu.matmul %get3A_1, %get3A_4, %dot_general3A {dimension_numbers = #tpu.dot_dimension_numbers<[1], [0], [0], [1], [0, 0, 1, 1], [], []>, transpose_lhs_hint = false} : vector<2048x16xf32>, vector<16x64xf32>, vector<2048x64xf32> -> vector<2048x64xf32>
    %get3A_6 = arith.constant 0 : index
    %get3A_7 = arith.constant 0 : index
    %get3A_8 = vector.load %arg3[%get3A_6, %get3A_7] : memref<1x64xf32, #tpu.memory_space<vmem>>, vector<1x64xf32>
    %add3A = vector.broadcast %get3A_8 : vector<1x64xf32> to vector<2048x64xf32>
    %add3A_9 = arith.addf %dot_general3A_5, %add3A : vector<2048x64xf32>
    %tanh3A = math.tanh %add3A_9 : vector<2048x64xf32>
    %get3A_10 = arith.constant 0 : index
    %get3A_11 = arith.constant 0 : index
    %get3A_12 = vector.load %arg4[%get3A_10, %get3A_11] : memref<64x128xf32, #tpu.memory_space<vmem>>, vector<64x128xf32>
    %dot_general3A_13 = arith.constant dense<0.000000e+00> : vector<2048x128xf32>
    %dot_general3A_14 = tpu.matmul %tanh3A, %get3A_12, %dot_general3A_13 {dimension_numbers = #tpu.dot_dimension_numbers<[1], [0], [0], [1], [0, 0, 1, 1], [], []>, transpose_lhs_hint = false} : vector<2048x64xf32>, vector<64x128xf32>, vector<2048x128xf32> -> vector<2048x128xf32>
    %get3A_15 = arith.constant 0 : index
    %get3A_16 = arith.constant 0 : index
    %get3A_17 = vector.load %arg5[%get3A_15, %get3A_16] : memref<1x128xf32, #tpu.memory_space<vmem>>, vector<1x128xf32>
    %add3A_18 = vector.broadcast %get3A_17 : vector<1x128xf32> to vector<2048x128xf32>
    %add3A_19 = arith.addf %dot_general3A_14, %add3A_18 : vector<2048x128xf32>
    %mul3A = arith.constant 2048 : i32
    %mul3A_20 = arith.muli %arg0, %mul3A : i32
    %iota3A = tpu.iota {dimensions = array<i32: 0>} : vector<2048x1xi32>
    %add3A_21 = vector.broadcast %mul3A_20 : i32 to vector<2048x1xi32>
    %add3A_22 = arith.addi %add3A_21, %iota3A : vector<2048x1xi32>
    %lt3A = arith.constant 320000 : i32
    %lt3A_23 = vector.broadcast %lt3A : i32 to vector<2048x1xi32>
    %lt3A_24 = arith.cmpi slt, %add3A_22, %lt3A_23 : vector<2048x1xi32>
    %jit3A = arith.constant 0.000000e+00 : f32
    %broadcast_in_dim3A = vector.shape_cast %lt3A_24 : vector<2048x1xi1> to vector<2048x1xi1>
    %broadcast_in_dim3A_25 = vector.broadcast %broadcast_in_dim3A : vector<2048x1xi1> to vector<2048x128xi1>
    %broadcast_in_dim3A_26 = vector.broadcast %jit3A : f32 to vector<2048x128xf32>
    %select_n3A = arith.select %broadcast_in_dim3A_25, %add3A_19, %broadcast_in_dim3A_26 : vector<2048x128xi1>, vector<2048x128xf32>
    %swap3A = arith.constant 0 : index
    %swap3A_27 = arith.constant 0 : index
    %swap3A_28 = vector.load %arg6[%swap3A, %swap3A_27] : memref<2048x128xf32, #tpu.memory_space<vmem>>, vector<2048x128xf32>
    tpu.vector_store %arg6[%swap3A, %swap3A_27], %select_n3A {strides = array<i32>} : memref<2048x128xf32, #tpu.memory_space<vmem>>, vector<2048x128xf32>,
    return
  }
  func.func @transform_0(%arg0: i32) -> (i32, i32) {
    %c0_i32 = arith.constant 0 : i32
    %c0_i32_0 = arith.constant 0 : i32
    return %arg0, %c0_i32 : i32, i32
  }
  func.func @transform_1(%arg0: i32) -> (i32, i32) {
    %c0_i32 = arith.constant 0 : i32
    %c0_i32_0 = arith.constant 0 : i32
    %c0_i32_1 = arith.constant 0 : i32
    return %c0_i32, %c0_i32_0 : i32, i32
  }
  func.func @transform_2(%arg0: i32) -> (i32, i32) {
    %c0_i32 = arith.constant 0 : i32
    %c0_i32_0 = arith.constant 0 : i32
    %c0_i32_1 = arith.constant 0 : i32
    return %c0_i32, %c0_i32_0 : i32, i32
  }
  func.func @transform_3(%arg0: i32) -> (i32, i32) {
    %c0_i32 = arith.constant 0 : i32
    %c0_i32_0 = arith.constant 0 : i32
    %c0_i32_1 = arith.constant 0 : i32
    return %c0_i32, %c0_i32_0 : i32, i32
  }
  func.func @transform_4(%arg0: i32) -> (i32, i32) {
    %c0_i32 = arith.constant 0 : i32
    %c0_i32_0 = arith.constant 0 : i32
    %c0_i32_1 = arith.constant 0 : i32
    return %c0_i32, %c0_i32_0 : i32, i32
  }
  func.func @transform_5(%arg0: i32) -> (i32, i32) {
    %c0_i32 = arith.constant 0 : i32
    %c0_i32_0 = arith.constant 0 : i32
    return %arg0, %c0_i32 : i32, i32
  }
}

module attributes {stable_mosaic.version = 14 : i64} {
  func.func @body(%arg0: i32, %arg1: memref<2000x128xf32, #tpu.memory_space<vmem>>, %arg2: memref<2000x128xf32, #tpu.memory_space<vmem>>, %arg3: memref<2000x128xf32, #tpu.memory_space<vmem>>, %arg4: memref<2000x1xf32, #tpu.memory_space<vmem>>, %arg5: memref<2000x1xf32, #tpu.memory_space<vmem>>, %arg6: memref<2000x128xf32, #tpu.memory_space<vmem>>) attributes {dimension_semantics = [#tpu.dimension_semantics<arbitrary>], iteration_bounds = array<i64: 5>, scalar_prefetch = 0 : i64, scratch_operands = 0 : i64, tpu.core_type = #tpu.core_type<tc>, window_params = [{transform_indices = @transform_0, window_bounds = array<i64: 2000, 128>}, {transform_indices = @transform_1, window_bounds = array<i64: 2000, 128>}, {transform_indices = @transform_2, window_bounds = array<i64: 2000, 128>}, {transform_indices = @transform_3, window_bounds = array<i64: 2000, 1>}, {transform_indices = @transform_4, window_bounds = array<i64: 2000, 1>}, {transform_indices = @transform_5, window_bounds = array<i64: 2000, 128>}]} {
    %get3A = arith.constant 0 : index
    %get3A_0 = arith.constant 0 : index
    %get3A_1 = vector.load %arg4[%get3A, %get3A_0] : memref<2000x1xf32, #tpu.memory_space<vmem>>, vector<2000x1xf32>
    %get3A_2 = arith.constant 0 : index
    %get3A_3 = arith.constant 0 : index
    %get3A_4 = vector.load %arg5[%get3A_2, %get3A_3] : memref<2000x1xf32, #tpu.memory_space<vmem>>, vector<2000x1xf32>
    %add3A = arith.addf %get3A_1, %get3A_4 : vector<2000x1xf32>
    %max3A = arith.constant 1.000000e+00 : f32
    %max3A_5 = vector.broadcast %max3A : f32 to vector<2000x1xf32>
    %max3A_6 = arith.maximumf %add3A, %max3A_5 : vector<2000x1xf32>
    %get3A_7 = arith.constant 0 : index
    %get3A_8 = arith.constant 0 : index
    %get3A_9 = vector.load %arg1[%get3A_7, %get3A_8] : memref<2000x128xf32, #tpu.memory_space<vmem>>, vector<2000x128xf32>
    %get3A_10 = arith.constant 0 : index
    %get3A_11 = arith.constant 0 : index
    %get3A_12 = vector.load %arg2[%get3A_10, %get3A_11] : memref<2000x128xf32, #tpu.memory_space<vmem>>, vector<2000x128xf32>
    %get3A_13 = arith.constant 0 : index
    %get3A_14 = arith.constant 0 : index
    %get3A_15 = vector.load %arg3[%get3A_13, %get3A_14] : memref<2000x128xf32, #tpu.memory_space<vmem>>, vector<2000x128xf32>
    %add3A_16 = arith.addf %get3A_12, %get3A_15 : vector<2000x128xf32>
    %div3A = vector.broadcast %max3A_6 : vector<2000x1xf32> to vector<2000x128xf32>
    %div3A_17 = arith.divf %add3A_16, %div3A : vector<2000x128xf32>
    %sub3A = arith.subf %get3A_9, %div3A_17 : vector<2000x128xf32>
    %reduce_max3A = arith.constant dense<0xFF800000> : vector<2000xf32>
    %reduce_max3A_18 = vector.multi_reduction <maximumf>, %sub3A, %reduce_max3A [1] : vector<2000x128xf32> to vector<2000xf32>
    %broadcast_in_dim3A = vector.shape_cast %reduce_max3A_18 : vector<2000xf32> to vector<2000x1xf32>
    %sub3A_19 = vector.broadcast %broadcast_in_dim3A : vector<2000x1xf32> to vector<2000x128xf32>
    %sub3A_20 = arith.subf %sub3A, %sub3A_19 : vector<2000x128xf32>
    %exp3A = math.exp %sub3A_20 : vector<2000x128xf32>
    %reduce_sum3A = arith.constant dense<0.000000e+00> : vector<2000xf32>
    %reduce_sum3A_21 = vector.multi_reduction <add>, %exp3A, %reduce_sum3A [1] : vector<2000x128xf32> to vector<2000xf32>
    %broadcast_in_dim3A_22 = vector.shape_cast %reduce_sum3A_21 : vector<2000xf32> to vector<2000x1xf32>
    %div3A_23 = vector.broadcast %broadcast_in_dim3A_22 : vector<2000x1xf32> to vector<2000x128xf32>
    %div3A_24 = arith.divf %exp3A, %div3A_23 : vector<2000x128xf32>
    %swap3A = arith.constant 0 : index
    %swap3A_25 = arith.constant 0 : index
    %swap3A_26 = vector.load %arg6[%swap3A, %swap3A_25] : memref<2000x128xf32, #tpu.memory_space<vmem>>, vector<2000x128xf32>
    tpu.vector_store %arg6[%swap3A, %swap3A_25], %div3A_24 {strides = array<i32>} : memref<2000x128xf32, #tpu.memory_space<vmem>>, vector<2000x128xf32>,
    return
  }
  func.func @transform_0(%arg0: i32) -> (i32, i32) {
    %c0_i32 = arith.constant 0 : i32
    %c0_i32_0 = arith.constant 0 : i32
    return %arg0, %c0_i32 : i32, i32
  }
  func.func @transform_1(%arg0: i32) -> (i32, i32) {
    %c0_i32 = arith.constant 0 : i32
    %c0_i32_0 = arith.constant 0 : i32
    return %arg0, %c0_i32 : i32, i32
  }
  func.func @transform_2(%arg0: i32) -> (i32, i32) {
    %c0_i32 = arith.constant 0 : i32
    %c0_i32_0 = arith.constant 0 : i32
    return %arg0, %c0_i32 : i32, i32
  }
  func.func @transform_3(%arg0: i32) -> (i32, i32) {
    %c0_i32 = arith.constant 0 : i32
    %c0_i32_0 = arith.constant 0 : i32
    return %arg0, %c0_i32 : i32, i32
  }
  func.func @transform_4(%arg0: i32) -> (i32, i32) {
    %c0_i32 = arith.constant 0 : i32
    %c0_i32_0 = arith.constant 0 : i32
    return %arg0, %c0_i32 : i32, i32
  }
  func.func @transform_5(%arg0: i32) -> (i32, i32) {
    %c0_i32 = arith.constant 0 : i32
    %c0_i32_0 = arith.constant 0 : i32
    return %arg0, %c0_i32 : i32, i32
  }
}

module attributes {stable_mosaic.version = 14 : i64} {
  func.func @body(%arg0: i32, %arg1: memref<2000x128xf32, #tpu.memory_space<vmem>>, %arg2: memref<2000x128xf32, #tpu.memory_space<vmem>>, %arg3: memref<2000x128xf32, #tpu.memory_space<vmem>>, %arg4: memref<2000x1xf32, #tpu.memory_space<vmem>>, %arg5: memref<2000x1xf32, #tpu.memory_space<vmem>>, %arg6: memref<2000x128xf32, #tpu.memory_space<vmem>>) attributes {dimension_semantics = [#tpu.dimension_semantics<arbitrary>], iteration_bounds = array<i64: 5>, scalar_prefetch = 0 : i64, scratch_operands = 0 : i64, tpu.core_type = #tpu.core_type<tc>, window_params = [{transform_indices = @transform_0, window_bounds = array<i64: 2000, 128>}, {transform_indices = @transform_1, window_bounds = array<i64: 2000, 128>}, {transform_indices = @transform_2, window_bounds = array<i64: 2000, 128>}, {transform_indices = @transform_3, window_bounds = array<i64: 2000, 1>}, {transform_indices = @transform_4, window_bounds = array<i64: 2000, 1>}, {transform_indices = @transform_5, window_bounds = array<i64: 2000, 128>}]} {
    %get3A = arith.constant 0 : index
    %get3A_0 = arith.constant 0 : index
    %get3A_1 = vector.load %arg4[%get3A, %get3A_0] : memref<2000x1xf32, #tpu.memory_space<vmem>>, vector<2000x1xf32>
    %get3A_2 = arith.constant 0 : index
    %get3A_3 = arith.constant 0 : index
    %get3A_4 = vector.load %arg5[%get3A_2, %get3A_3] : memref<2000x1xf32, #tpu.memory_space<vmem>>, vector<2000x1xf32>
    %add3A = arith.addf %get3A_1, %get3A_4 : vector<2000x1xf32>
    %max3A = arith.constant 1.000000e+00 : f32
    %max3A_5 = vector.broadcast %max3A : f32 to vector<2000x1xf32>
    %max3A_6 = arith.maximumf %add3A, %max3A_5 : vector<2000x1xf32>
    %get3A_7 = arith.constant 0 : index
    %get3A_8 = arith.constant 0 : index
    %get3A_9 = vector.load %arg1[%get3A_7, %get3A_8] : memref<2000x128xf32, #tpu.memory_space<vmem>>, vector<2000x128xf32>
    %get3A_10 = arith.constant 0 : index
    %get3A_11 = arith.constant 0 : index
    %get3A_12 = vector.load %arg2[%get3A_10, %get3A_11] : memref<2000x128xf32, #tpu.memory_space<vmem>>, vector<2000x128xf32>
    %get3A_13 = arith.constant 0 : index
    %get3A_14 = arith.constant 0 : index
    %get3A_15 = vector.load %arg3[%get3A_13, %get3A_14] : memref<2000x128xf32, #tpu.memory_space<vmem>>, vector<2000x128xf32>
    %add3A_16 = arith.addf %get3A_12, %get3A_15 : vector<2000x128xf32>
    %div3A = vector.broadcast %max3A_6 : vector<2000x1xf32> to vector<2000x128xf32>
    %div3A_17 = arith.divf %add3A_16, %div3A : vector<2000x128xf32>
    %sub3A = arith.subf %get3A_9, %div3A_17 : vector<2000x128xf32>
    %swap3A = arith.constant 0 : index
    %swap3A_18 = arith.constant 0 : index
    %swap3A_19 = vector.load %arg6[%swap3A, %swap3A_18] : memref<2000x128xf32, #tpu.memory_space<vmem>>, vector<2000x128xf32>
    tpu.vector_store %arg6[%swap3A, %swap3A_18], %sub3A {strides = array<i32>} : memref<2000x128xf32, #tpu.memory_space<vmem>>, vector<2000x128xf32>,
    return
  }
  func.func @transform_0(%arg0: i32) -> (i32, i32) {
    %c0_i32 = arith.constant 0 : i32
    %c0_i32_0 = arith.constant 0 : i32
    return %arg0, %c0_i32 : i32, i32
  }
  func.func @transform_1(%arg0: i32) -> (i32, i32) {
    %c0_i32 = arith.constant 0 : i32
    %c0_i32_0 = arith.constant 0 : i32
    return %arg0, %c0_i32 : i32, i32
  }
  func.func @transform_2(%arg0: i32) -> (i32, i32) {
    %c0_i32 = arith.constant 0 : i32
    %c0_i32_0 = arith.constant 0 : i32
    return %arg0, %c0_i32 : i32, i32
  }
  func.func @transform_3(%arg0: i32) -> (i32, i32) {
    %c0_i32 = arith.constant 0 : i32
    %c0_i32_0 = arith.constant 0 : i32
    return %arg0, %c0_i32 : i32, i32
  }
  func.func @transform_4(%arg0: i32) -> (i32, i32) {
    %c0_i32 = arith.constant 0 : i32
    %c0_i32_0 = arith.constant 0 : i32
    return %arg0, %c0_i32 : i32, i32
  }
  func.func @transform_5(%arg0: i32) -> (i32, i32) {
    %c0_i32 = arith.constant 0 : i32
    %c0_i32_0 = arith.constant 0 : i32
    return %arg0, %c0_i32 : i32, i32
  }
}

</mosaic_0001>

<sc_bundles>
// kernel: kernel.11.cloned.1.call-start
scs
__scs_entry_jumppad:
0x0: {  	(pc) =	sbr.rel $0x88, $3  }
0x1: {  	(tag) =	ssettag $0x0;
	lr =	simm.s32 $0x1  }
0x2: {  	[smem:$0x3F9A] =	sst lr;
	_ =	strace $0xD0000000  }
0x3: {  	_ = 	snop  }
0x4: {  	_ = 	snop  }
0x5: {  	_ = 	snop  }
0x6: {  	_ = 	snop  }
0x7: {  	_ = 	snop  }
__scs_overlays_trampoline_lowered:
0x8: {  	[smem:$0x3FA9] =	sst s0  }
0x9: {  	[smem:$0x3FAA] =	sst s1  }
0xa: {  	[smem:$0x3FAB] =	sst s2  }
0xb: {  	[smem:$0x3FAC] =	sst s3  }
0xc: {  	[smem:$0x3FAD] =	sst s4  }
0xd: {  	[smem:$0x3FAE] =	sst s5  }
0xe: {  	[smem:$0x3FAF] =	sst s6  }
0xf: {  	[smem:$0x3FB0] =	sst s7  }
0x10: {  	[smem:$0x3FB1] =	sst s8  }
0x11: {  	[smem:$0x3FB2] =	sst s9;
	s0 =	simm.s32 @!p0 $0x0  }
0x12: {  	s1 =	sld [smem:$0x3F98];
	s0 =	simm.s32 @p0 $0x1  }
0x13: {  	[smem:$0x3FB3] =	sst s0;
	s0 =	simm.s32 @!p1 $0x0  }
0x14: {  	s2 =	sld [smem:$0x3F97];
	s0 =	simm.s32 @p1 $0x1  }
0x15: {  	[smem:$0x3FB4] =	sst s0;
	s0 =	simm.s32 @!p2 $0x0  }
0x16: {  	s3 =	sld [smem:$0x3FDB];
	s0 =	simm.s32 @p2 $0x1  }
0x17: {  	s4 =	simm.s32 $0x1BF5;
	[smem:$0x3FB6] =	sst s0  }
0x18: {  	s0 =	sld [smem:$0x3F99];
	_ =	swait.ge [sflag:s4], $0x0  }
0x19: {  	s7 =	sld [smem:$0x3F9A]  }
0x1a: {  	s8 =	sadd.s32 $0xFFFFE003, lr  }
0x1b: {  	s9 =	sadd.s32 $0xFFFFFEF7, lr;
	s5 =	simm.s32 $0xFFFFFFFF;
	p2 =	slt.u32 s8, $0xFFFFF086  }
0x1c: {  	p1 =	slt.u32 s9, $0xF7A;
	s5 =	simm.s32 @!p2 $0x0  }
0x1d: {  	s5 =	simm.s32 @p1 $0x1;
	p0 =	seq.s32 s7, s2  }
0x1e: {  	s7 =	smul.u32 @!p0 $0xF7A, s2;
	p2 =	seq.s32 @!p0 s5, $0x0  }
0x1f: {  	s9 =	smul.u32 $0xF7A, s1;
	s8 =	simm.s32 @!p0 $0x1BF5;
	p2 =	por !p2, p0  }
0x20: {  	[sflag:s8] =	ssyncset.s32 @!p0 $0xFFFFF086;
	s6 =	sadd.s32 @!p0 s3, s7;
	s7 =	simm.s32 @!p0 $0x108  }
0x21: {  	s3 =	sadd.s32 s3, s9;
	s6 =	sadd.s32 @!p0 $0x88, s6;
	s7 =	simm.s32 @p2 $0x1082  }
0x22: {  	[simem:s7], [sflag:s8] =	dma.local @!p0 [hbm:s6], $0xF7A  }
0x23: {  	s9 =	sor.u32 $0xD0000000, s2;
	s6 =	simm.s32 $0x108;
	_ =	swait.ge @!p0 [sflag:s8], $0x0  }
0x24: {  	s3 =	sadd.s32 $0x88, s3;
	s6 =	simm.s32 @!p1 $0x1082;
	[sflag:s4] =	ssyncset.s32 $0xFFFFF086  }
0x25: {  	[simem:s6], [sflag:s4] =	dma.local [hbm:s3], $0xF7A  }
0x26: {  	[smem:$0x3F9A] =	sst s1;
	(tag) =	ssettag s2;
	_ =	strace s9  }
0x27: {  	s1 =	sld [smem:$0x3FAA]  }
0x28: {  	s2 =	sld [smem:$0x3FAB]  }
0x29: {  	s4 =	sld [smem:$0x3FAD]  }
0x2a: {  	p0 =	seq.s32 s5, $0x0;
	s5 =	sld [smem:$0x3FAE]  }
0x2b: {  	s6 =	sld [smem:$0x3FAF]  }
0x2c: {  	s7 =	sld [smem:$0x3FB0]  }
0x2d: {  	s3 =	simm.s32 $0x108;
	s8 =	sld [smem:$0x3FB1]  }
0x2e: {  	s3 =	simm.s32 @!p0 $0x1082;
	s9 =	sld [smem:$0x3FB2]  }
0x2f: {  	lr =	sadd.s32 s0, s3;
	s0 =	sld [smem:$0x3FA9]  }
0x30: {  	s3 =	sld [smem:$0x3FAC]  }
0x31: {  	[smem:$0x3FB5] =	sst s10  }
0x32: {  	s10 =	sld [smem:$0x3FB3];
	_ =	sdelay $0x3  }
0x33: {  	p0 =	seq.s32 s10, $0x1;
	s10 =	sld [smem:$0x3FB5];
	_ =	sdelay $0x3  }
0x34: {  	[smem:$0x3FB5] =	sst s10  }
0x35: {  	s10 =	sld [smem:$0x3FB4];
	_ =	sdelay $0x3  }
0x36: {  	p1 =	seq.s32 s10, $0x1;
	s10 =	sld [smem:$0x3FB5];
	_ =	sdelay $0x3  }
0x37: {  	[smem:$0x3FB5] =	sst s10  }
0x38: {  	s10 =	sld [smem:$0x3FB6]  }
0x39: {  	_ = 	snop;
	(pc) =	sbr.ind lr, $3  }
0x3a: {  	_ = 	snop  }
0x3b: {  	_ = 	snop  }
0x3c: {  	p2 =	seq.s32 s10, $0x1;
	s10 =	sld [smem:$0x3FB5]  }
0x3d: {  	_ =	shalt  }
0x3e: {  	_ =	shalt  }
0x3f: {  	_ =	shalt  }
0x40: {  	_ =	shalt  }
0x41: {  	_ =	shalt  }
0x42: {  	_ =	shalt  }
0x43: {  	_ =	shalt  }
0x44: {  	_ =	shalt  }
0x45: {  	_ =	shalt  }
0x46: {  	_ =	shalt  }
0x47: {  	_ =	shalt  }
0x48: {  	_ =	shalt  }
0x49: {  	_ =	shalt  }
0x4a: {  	_ =	shalt  }
0x4b: {  	_ =	shalt  }
0x4c: {  	_ =	shalt  }
0x4d: {  	_ =	shalt  }
0x4e: {  	_ =	shalt  }
0x4f: {  	_ =	shalt  }
0x50: {  	_ =	shalt  }
0x51: {  	_ =	shalt  }
0x52: {  	_ =	shalt  }
0x53: {  	_ =	shalt  }
0x54: {  	_ =	shalt  }
0x55: {  	_ =	shalt  }
0x56: {  	_ =	shalt  }
0x57: {  	_ =	shalt  }
0x58: {  	_ =	shalt  }
0x59: {  	_ =	shalt  }
0x5a: {  	_ =	shalt  }
0x5b: {  	_ =	shalt  }
0x5c: {  	_ =	shalt  }
0x5d: {  	_ =	shalt  }
0x5e: {  	_ =	shalt  }
0x5f: {  	_ =	shalt  }
0x60: {  	_ =	shalt  }
0x61: {  	_ =	shalt  }
0x62: {  	_ =	shalt  }
0x63: {  	_ =	shalt  }
0x64: {  	_ =	shalt  }
0x65: {  	_ =	shalt  }
0x66: {  	_ =	shalt  }
0x67: {  	_ =	shalt  }
0x68: {  	_ =	shalt  }
0x69: {  	_ =	shalt  }
0x6a: {  	_ =	shalt  }
0x6b: {  	_ =	shalt  }
0x6c: {  	_ =	shalt  }
0x6d: {  	_ =	shalt  }
0x6e: {  	_ =	shalt  }
0x6f: {  	_ =	shalt  }
0x70: {  	_ =	shalt  }
0x71: {  	_ =	shalt  }
0x72: {  	_ =	shalt  }
0x73: {  	_ =	shalt  }
0x74: {  	_ =	shalt  }
0x75: {  	_ =	shalt  }
0x76: {  	_ =	shalt  }
0x77: {  	_ =	shalt  }
0x78: {  	_ =	shalt  }
0x79: {  	_ =	shalt  }
0x7a: {  	_ =	shalt  }
0x7b: {  	_ =	shalt  }
0x7c: {  	_ =	shalt  }
0x7d: {  	_ =	shalt  }
0x7e: {  	_ =	shalt  }
0x7f: {  	_ =	shalt  }
0x80: {  	_ =	shalt  }
0x81: {  	_ =	shalt  }
0x82: {  	_ =	shalt  }
0x83: {  	_ =	shalt  }
0x84: {  	_ =	shalt  }
0x85: {  	_ =	shalt  }
0x86: {  	_ =	shalt  }
0x87: {  	_ =	shalt  }
.Lfunc_end0:
.L_simem_size_0:
called_computation.1_lowered:
.L_overlay_start_0:
0x88: {  	s2 =	sld [smem:$0x3FD9]  }
0x89: {  	s3 =	sld [smem:$0x3FFE];
	_ =	sdelay $0x1  }
0x8a: {  	s1 =	srdreg.scid  }
0x8b: {  	s0 =	sand.u32 $0x1, s1  }
0x8c: {  	s16 =	sshll.u32 s0, $0xA;
	s2 =	sadd.s32 s3, s2  }
0x8d: {  	s2 =	sadd.s32 s2, s16  }
0x8e: {  	[smem:$0x3FC1] =	sst s2  }
0x8f: {  	_ = 	snop  }
0x90: {  	(tm) =	ssettm $0x1  }
0x91: {  	s17 =	sld [smem:$0x3FFB];
	_ =	sdelay $0x3  }
0x92: {  	_ =	strace s17  }
0x93: {  	s2 =	sld [smem:$0x3FFC];
	_ =	sdelay $0x3  }
0x94: {  	_ =	strace s2  }
0x95: {  	s2 =	sld [smem:$0x3FFD];
	_ =	sdelay $0x3  }
0x96: {  	_ =	strace s2  }
0x97: {  	_ =	strace $0x8FFFFFFF  }
0x98: {  	s18 =	sld [smem:$0x3FDB];
	_ =	sdelay $0x1  }
0x99: {  	s19 =	simm.s32 $_scs_section_size  }
0x9a: {  	s4 =	simm.s32 $_size__tile_overlayer_lowered;
	s5 =	simm.s32 $_tile_overlayer_lowered  }
0x9b: {  	s22 =	simm.s32 $0x1BFF;
	s21 =	sshll.u32 s5, $0x1;
	s2 =	sadd.s32 s19, s18  }
0x9c: {  	s6 =	simm.s32 $0x0;
	s20 =	sshll.u32 s4, $0x1;
	s4 =	sadd.s32 s21, s2  }
0x9d: {  	[timem:s6], [sflag:s22] =	dma.local [hbm:s4], s20  }
0x9e: {  	_ =	swait.ge [sflag:s22], s20  }
0x9f: {  	s3 =	ssub.s32 $0x0, s20;
	[sflag:s22] =	ssyncset.done $0x0  }
0xa0: {  	[sflag:s22] =	ssyncadd.s32 s3;
	_ =	sdelay $0x1  }
0xa1: {  	s23 =	simm.s32 $0x1B8B  }
0xa2: {  	_ =	swait.ge [sflag:s23], $0x1  }
0xa3: {  	[sflag:s23] =	ssyncset.done $0x0  }
0xa4: {  	s25 =	simm.s32 $0x1B8E;
	s24 =	sld [smem:$0x3FFE];
	[sflag:s23] =	ssyncadd.s32 $0xFFFFFFFF  }
0xa5: {  	s26 =	simm.s32 $execute0_lowered;
	[smem:$0x3FD2] =	sst s25  }
0xa6: {  	s4 =	sshll.u32 s26, $0x1;
	_ =	strace $0x80000049;
	[dreg:$0x1] =	wrdreg $0xFFFFFFFF  }
0xa7: {  	s28 =	simm.s32 $_size_execute0_lowered;
	s2 =	sadd.s32 s2, s4;
	[dreg:$0x0] =	wrdreg $0x0  }
0xa8: {  	s4 =	sshll.u32 s28, $0x1;
	[dreg:$0x2] =	wrdreg s2  }
0xa9: {  	[dreg:$0x3] =	wrdreg s4  }
0xaa: {  	[dreg:$0x4] =	wrdreg $0xC0  }
0xab: {  	_ =	task [dreg:s6], $0x5FFFF  }
0xac: {  	[dreg:$0x1] =	wrdreg $0xFFFFFFFF  }
0xad: {  	[dreg:$0x0] =	wrdreg $0x60  }
0xae: {  	[dreg:$0x2] =	wrdreg s24  }
0xaf: {  	[dreg:$0x3] =	wrdreg $0x82000  }
0xb0: {  	[dreg:$0x4] =	wrdreg $0x9  }
0xb1: {  	_ =	task.clear_ibuf [dreg:s6], $0x5FFFF;
	_ =	strace $0x90000049  }
0xb2: {  	s29 =	simm.s32 $0x9;
	_ =	strace $0x8000004B  }
0xb3: {  	_ =	swait.ge [sflag:s29], $0x1  }
0xb4: {  	[sflag:s29] =	ssyncadd.s32 $0xFFFFFFFF  }
0xb5: {  	_ =	strace $0x9000004B  }
0xb6: {  	_ =	sfence  }
0xb7: {  	s30 =	sld [smem:$0x0];
	_ =	sdelay $0x2  }
0xb8: {  	s31 =	sshll.u32 s1, $0xD;
	s1 =	sshrl.u32 s1, $0x2  }
0xb9: {  	s3 =	sand.u32 $0x4000, s31;
	s1 =	sadd.s32 s1, s30  }
0xba: {  	s0 =	sor.u32 s3, s0;
	s1 =	sshll.u32 s1, $0x11  }
0xbb: {  	s0 =	sor.u32 s1, s0  }
0xbc: {  	s0 =	sadd.s32 $0x8F2B, s0  }
0xbd: {  	[sflag:s0] =	ssyncadd.remote.s32 $0x1  }
0xbe: {  	_ =	sfence.sel $0xFFFF  }
0xbf: {  	[dreg:$0x0] =	wrdreg $0xFFFFFFFF;
	(pc) =	sbr.abs _section_cstart, $3  }
0xc0: {  	[dreg:$0x1] =	wrdreg $0xFFFFFFFF  }
0xc1: {  	_ =	task.clear_ibuf [dreg:s6], $0x2FFFF;
	_ =	strace $0x9FFFFFFF  }
0xc2: {  	(tm) =	ssettm $0x7FFFFFFF  }
0xc3: {  	_ =	shalt  }
tec
execute0_lowered:
.L_overlay_start_1:
0x0: {  	(tag) =	ssettag $0x1  }
0x1: {  	s7 =	rddreg [dreg:$0x0]  }
0x2: {  	s2 =	rddreg [dreg:$0x1]  }
0x3: {  	s0 =	rddreg [dreg:$0x2];
	s3 =	simm.s32 $0x0;
	s1 =	stileid.u32  }
0x4: {  	s4 =	srdreg.scid;
	s16 =	simm.s32 $0x200;
	s17 =	simm.s32 $0x4200  }
0x5: {  	s18 =	simm.s32 $0x2;
	s19 =	simm.s32 $0x1;
	s20 =	simm.s32 $0x100  }
0x6: {  	s21 =	simm.s32 $0x3;
	s22 =	simm.s32 $0x0;
	[smem:$0x7FF] =	sst s3  }
0x7: {  	s8 =	smul.u32 $0x13C00, s1;
	s9 =	sand.u32 $0x1, s4;
	s4 =	sadd.s32 $0x78A00, s7  }
0x8: {  	s5 =	sadd.s32 $0x9D4000, s7;
	s6 =	sadd.s32 $0x2000, s7;
	s12 =	smul.u32 $0x4F000, s1  }
0x9: {  	s31 =	sshll.u32 s1, $0x6;
	_ =	strace $0x8000004A;
	s10 =	smul.u32 $0x13C000, s9  }
0xa: {  	s25 =	ssub.s32 $0x2, s9;
	s28 =	sshll.u32 s9, $0x4;
	s9 =	sor.u32 $0x1C04, s31  }
0xb: {  	s11 =	sshrl.u32 s8, $0x3;
	s26 =	sshrl.u32 s25, $0x1;
	s29 =	sor.u32 s1, s28  }
0xc: {  	s30 =	sshrl.u32 s12, $0x2;
	s11 =	sadd.s32 s11, s7;
	s8 =	sadd.s32 s8, s10  }
0xd: {  	s14 =	ssub.s32 s25, s26;
	s15 =	sadd.s32 s30, s2;
	s10 =	smul.u32 $0x13C000, s29  }
0xe: {  	s8 =	sshrl.u32 s8, $0x3;
	s12 =	smax.u32 s14, $0x1;
	s14 =	simm.s32 $0x4  }
0xf: {  	s13 =	sadd.s32 s8, s7;
	s7 =	smul.u32 $0xA000, s29;
	s8 =	sadd.s32 $0x2A000, s11  }
0x10: {  	s11 =	sadd.s32 $0x9FC00, s13;
	s13 =	sshrl.u32 s15, $0x3;
	s15 =	simm.s32 $0x80  }
.LBB2_1:
0x11: {  	[spmem:s13], [sflag:s9] =	dma.local [hbm:s8], $0x2780  }
0x12: {  	_ =	swait.ge [sflag:s14], $0x2780  }
0x13: {  	[sflag:s14] =	ssyncset.done $0x0  }
0x14: {  	[sflag:s14] =	ssyncadd.s32 $0xFFFFD880  }
0x15: {  	s23 =	simm.s32 $0x0;
	[bflag:$0x0] =	sbarrier.arrive $0xFFFF  }
.LBB2_2:
0x16: {  	s24 =	sshll.u32 s23, $0x9  }
0x17: {  	p0 =	seq.s32 s23, $0x0;
	s25 =	sshll.u32 s23, $0x7;
	s24 =	sand.u32 $0xF000, s24  }
0x18: {  	s26 =	simm.s32 @!p0 $0x3;
	s25 =	sand.u32 $0x380, s25;
	s24 =	sadd.s32 s7, s24  }
0x19: {  	_ =	swait.ge @!p0 [sflag:s26], $0x4000;
	s24 =	sor.u32 s25, s24  }
0x1a: {  	s31 =	sshll.u32 s23, $0xE;
	[sflag:s26] =	ssyncset.done @!p0 $0x0;
	s24 =	sshrl.u32 s24, $0x3  }
0x1b: {  	[sflag:s26] =	ssyncadd.s32 @!p0 $0xFFFFC000;
	s30 =	sadd.s32 s6, s24;
	s24 =	simm.s32 $0x400  }
0x1c: {  	[tilespmem:s3], [sflag:$0x4] =	stream.strided.gather [hbm4b:s30+s15], $0x200, s24, s15, $0x38;
	[tilespmem:$0x1BE00] =	vst v63  }
0x1d: {  	s25 =	sadd.s32 s10, s31;
	_ =	swait.ge [sflag:s14], $0x200  }
0x1e: {  	s25 =	sshrl.u32 s25, $0x3;
	[sflag:s14] =	ssyncset.done $0x0  }
0x1f: {  	s25 =	sadd.s32 s5, s25;
	[sflag:s14] =	ssyncadd.s32 $0xFFFFFE00  }
0x20: {  	[tilespmem:s16], [sflag:$0x1] =	stream.linear.gather [hbm4b:s25+s3], $0x4000, $0x38;
	[tilespmem:$0x1BE00] =	vst v63  }
0x21: {  	_ = 	snop  }
0x22: {  	[tilespmem:s17], [sflag:$0x2] =	stream.indirect.gather [hbm4b:s4+s15], $0x80, s3, s15, $0xb8;
	[tilespmem:$0x1BE00] =	vst v63  }
0x23: {  	_ =	swait.ge [sflag:s18], $0x4000  }
0x24: {  	[sflag:s18] =	ssyncset.done $0x0  }
0x25: {  	[sflag:s18] =	ssyncadd.s32 $0xFFFFC000  }
0x26: {  	_ =	swait.ge [sflag:s19], $0x4000  }
0x27: {  	[sflag:s19] =	ssyncset.done $0x0  }
0x28: {  	s25 =	simm.s32 $0x4400;
	[sflag:s19] =	ssyncadd.s32 $0xFFFFC000  }
0x29: {  	v0 =	vld [tilespmem:s25+$0x180]  }
0x2a: {  	v1 =	vld [tilespmem:s24+$0x180]  }
0x2b: {  	v2 =	vld [tilespmem:s24+$0xFFFFFE00]  }
0x2c: {  	v3 =	vld [tilespmem:s25+$0xFFFFFE80]  }
0x2d: {  	v4 =	vld [tilespmem:s24+$0xFFFFFE80]  }
0x2e: {  	v5 =	vld [tilespmem:s25+$0xFFFFFF00]  }
0x2f: {  	v6 =	vld [tilespmem:s24+$0xFFFFFF00]  }
0x30: {  	v7 =	vld [tilespmem:s24+$0xFFFFFF80]  }
0x31: {  	v9 =	vld [tilespmem:s25+$0x0]  }
0x32: {  	v10 =	vld [tilespmem:s24+$0x0]  }
0x33: {  	v11 =	vld [tilespmem:s25+$0x80]  }
0x34: {  	v12 =	vld [tilespmem:s24+$0x80]  }
0x35: {  	v13 =	vld [tilespmem:s25+$0x100]  }
0x36: {  	v50 =	vld [tilespmem:s25+$0xFFFFFF90]  }
0x37: {  	v51 =	vld [tilespmem:s25+$0x10]  }
0x38: {  	v52 =	vld [tilespmem:s25+$0xFFFFFFA0]  }
0x39: {  	v53 =	vld [tilespmem:s25+$0x20]  }
0x3a: {  	v14 =	vld [tilespmem:s25+$0xA0];
	v0 =	vmul.f32 v1, v0  }
0x3b: {  	v54 =	vld [tilespmem:s25+$0xFFFFFFB0]  }
0x3c: {  	[tilespmem:s25+$0x180] =	vst v0;
	v0 =	vld [tilespmem:s25+$0x190]  }
0x3d: {  	v1 =	vld [tilespmem:s24+$0x190]  }
0x3e: {  	v55 =	vld [tilespmem:s25+$0x30]  }
0x3f: {  	v56 =	vld [tilespmem:s25+$0xFFFFFFC0]  }
0x40: {  	v57 =	vld [tilespmem:s25+$0xC0]  }
0x41: {  	v58 =	vld [tilespmem:s25+$0xFFFFFFD0]  }
0x42: {  	v59 =	vld [tilespmem:s25+$0xD0];
	v0 =	vmul.f32 v1, v0  }
0x43: {  	v1 =	vld [tilespmem:s25+$0xFFFFFF80]  }
0x44: {  	[tilespmem:s25+$0x190] =	vst v0;
	v0 =	vld [tilespmem:s25+$0x1A0]  }
0x45: {  	v8 =	vld [tilespmem:s24+$0x1A0]  }
0x46: {  	v60 =	vld [tilespmem:s25+$0xFFFFFFE0]  }
0x47: {  	v61 =	vld [tilespmem:s25+$0xE0]  }
0x48: {  	v62 =	vld [tilespmem:s25+$0xFFFFFE70];
	v1 =	vmul.f32 v7, v1  }
0x49: {  	v3 =	vmul.f32 v4, v3;
	v4 =	vld [tilespmem:s25+$0xFFFFFE00]  }
0x4a: {  	[tilespmem:s25+$0xFFFFFF80] =	vst v1;
	v1 =	vmul.f32 v12, v11;
	v11 =	vld [tilespmem:s25+$0xFFFFFF10];
	v0 =	vmul.f32 v8, v0  }
0x4b: {  	[tilespmem:s25+$0xFFFFFE80] =	vst v3;
	v8 =	vld [tilespmem:s24+$0x100]  }
0x4c: {  	[tilespmem:s25+$0x1A0] =	vst v0;
	v0 =	vmul.f32 v6, v5;
	v5 =	vld [tilespmem:s25+$0x1B0]  }
0x4d: {  	v6 =	vld [tilespmem:s24+$0xFFFFFE90]  }
0x4e: {  	v2 =	vmul.f32 v2, v4;
	v3 =	vld [tilespmem:s24+$0x1B0]  }
0x4f: {  	[tilespmem:s25+$0xFFFFFF00] =	vst v0;
	v0 =	vmul.f32 v10, v9;
	v9 =	vld [tilespmem:s25+$0xFFFFFE10]  }
0x50: {  	[tilespmem:s25+$0xFFFFFE00] =	vst v2;
	v7 =	vld [tilespmem:s24+$0xFFFFFF10];
	v4 =	vmul.f32 v8, v13  }
0x51: {  	[tilespmem:s25+$0x0] =	vst v0;
	v0 =	vld [tilespmem:s24+$0xFFFFFF90]  }
0x52: {  	[tilespmem:s25+$0x100] =	vst v4;
	v4 =	vld [tilespmem:s24+$0xFFFFFE10]  }
0x53: {  	[tilespmem:s25+$0x80] =	vst v1;
	v1 =	vld [tilespmem:s24+$0x10];
	v3 =	vmul.f32 v3, v5  }
0x54: {  	v5 =	vld [tilespmem:s24+$0x110]  }
0x55: {  	[tilespmem:s25+$0x1B0] =	vst v3;
	v3 =	vld [tilespmem:s25+$0x1C0]  }
0x56: {  	v8 =	vld [tilespmem:s24+$0x1C0]  }
0x57: {  	v4 =	vmul.f32 v4, v9;
	v9 =	vld [tilespmem:s25+$0x110]  }
0x58: {  	v2 =	vld [tilespmem:s24+$0x90]  }
0x59: {  	v10 =	vld [tilespmem:s25+$0xFFFFFE90];
	v0 =	vmul.f32 v0, v50  }
0x5a: {  	v1 =	vmul.f32 v1, v51;
	[tilespmem:s25+$0xFFFFFE10] =	vst v4;
	v4 =	vmul.f32 v7, v11;
	v11 =	vld [tilespmem:s25+$0xFFFFFF20]  }
0x5b: {  	[tilespmem:s25+$0xFFFFFF90] =	vst v0;
	v3 =	vmul.f32 v8, v3;
	v8 =	vld [tilespmem:s25+$0x90]  }
0x5c: {  	[tilespmem:s25+$0x10] =	vst v1;
	v1 =	vmul.f32 v5, v9;
	v5 =	vld [tilespmem:s24+$0xFFFFFFA0]  }
0x5d: {  	v9 =	vld [tilespmem:s25+$0xFFFFFE20]  }
0x5e: {  	[tilespmem:s25+$0x1C0] =	vst v3;
	v3 =	vmul.f32 v6, v10;
	v6 =	vld [tilespmem:s25+$0x1D0]  }
0x5f: {  	v10 =	vld [tilespmem:s25+$0xFFFFFEA0]  }
0x60: {  	v7 =	vld [tilespmem:s24+$0x1D0]  }
0x61: {  	[tilespmem:s25+$0xFFFFFE90] =	vst v3;
	v3 =	vld [tilespmem:s24+$0xFFFFFE20]  }
0x62: {  	[tilespmem:s25+$0xFFFFFF10] =	vst v4;
	v4 =	vld [tilespmem:s24+$0xFFFFFEA0];
	v0 =	vmul.f32 v2, v8  }
0x63: {  	v2 =	vld [tilespmem:s24+$0xFFFFFF20]  }
0x64: {  	v8 =	vld [tilespmem:s24+$0x20];
	[tilespmem:s25+$0x90] =	vst v0  }
0x65: {  	[tilespmem:s25+$0x110] =	vst v1;
	v0 =	vmul.f32 v7, v6;
	v6 =	vld [tilespmem:s24+$0xA0]  }
0x66: {  	v7 =	vld [tilespmem:s24+$0x120]  }
0x67: {  	[tilespmem:s25+$0x1D0] =	vst v0;
	v0 =	vld [tilespmem:s25+$0x1E0]  }
0x68: {  	v4 =	vmul.f32 v4, v10;
	v10 =	vld [tilespmem:s25+$0xFFFFFEB0]  }
0x69: {  	v2 =	vmul.f32 v2, v11;
	v1 =	vld [tilespmem:s24+$0x1E0]  }
0x6a: {  	v11 =	vld [tilespmem:s25+$0xFFFFFF30];
	[tilespmem:s25+$0xFFFFFEA0] =	vst v4;
	v4 =	vmul.f32 v5, v52  }
0x6b: {  	[tilespmem:s25+$0xFFFFFF20] =	vst v2;
	v2 =	vmul.f32 v8, v53;
	v8 =	vld [tilespmem:s24+$0xFFFFFEB0]  }
0x6c: {  	[tilespmem:s25+$0xFFFFFFA0] =	vst v4;
	v4 =	vmul.f32 v6, v14;
	v6 =	vld [tilespmem:s24+$0xFFFFFF30]  }
0x6d: {  	[tilespmem:s25+$0x20] =	vst v2;
	v2 =	vld [tilespmem:s24+$0xFFFFFFB0]  }
0x6e: {  	v0 =	vmul.f32 v1, v0;
	v1 =	vmul.f32 v3, v9;
	v3 =	vld [tilespmem:s25+$0x120]  }
0x6f: {  	[tilespmem:s25+$0xA0] =	vst v4;
	v4 =	vld [tilespmem:s24+$0x30]  }
0x70: {  	[tilespmem:s25+$0x1E0] =	vst v0;
	v0 =	vld [tilespmem:s25+$0x1F0]  }
0x71: {  	v8 =	vmul.f32 v8, v10;
	v10 =	vld [tilespmem:s25+$0x130]  }
0x72: {  	[tilespmem:s25+$0xFFFFFE20] =	vst v1;
	v1 =	vld [tilespmem:s24+$0x1F0]  }
0x73: {  	v5 =	vld [tilespmem:s24+$0xFFFFFE30];
	v3 =	vmul.f32 v7, v3  }
0x74: {  	v7 =	vld [tilespmem:s24+$0xB0]  }
0x75: {  	v6 =	vmul.f32 v6, v11;
	[tilespmem:s25+$0x120] =	vst v3;
	v3 =	vld [tilespmem:s25+$0xFFFFFE30]  }
0x76: {  	[tilespmem:s25+$0xFFFFFEB0] =	vst v8;
	v9 =	vld [tilespmem:s24+$0x130]  }
0x77: {  	v8 =	vld [tilespmem:s24+$0xFFFFFEC0];
	[tilespmem:s25+$0xFFFFFF30] =	vst v6;
	v0 =	vmul.f32 v1, v0  }
0x78: {  	v6 =	vld [tilespmem:s24+$0xFFFFFF40]  }
0x79: {  	v4 =	vmul.f32 v4, v55;
	[tilespmem:s25+$0x1F0] =	vst v0;
	v0 =	vld [tilespmem:s25+$0xF0]  }
0x7a: {  	v3 =	vmul.f32 v5, v3;
	v5 =	vld [tilespmem:s25+$0xB0]  }
0x7b: {  	[tilespmem:s25+$0x30] =	vst v4;
	v4 =	vmul.f32 v9, v10;
	v10 =	vld [tilespmem:s25+$0xFFFFFF40]  }
0x7c: {  	[tilespmem:s25+$0xFFFFFE30] =	vst v3;
	v3 =	vld [tilespmem:s25+$0xFFFFFE40]  }
0x7d: {  	v2 =	vmul.f32 v2, v54;
	v11 =	vld [tilespmem:s24+$0xFFFFFE40]  }
0x7e: {  	v9 =	vld [tilespmem:s25+$0xFFFFFEC0];
	[tilespmem:s25+$0x130] =	vst v4  }
0x7f: {  	[tilespmem:s25+$0xFFFFFFB0] =	vst v2;
	v4 =	vld [tilespmem:s24+$0x140]  }
0x80: {  	v2 =	vmul.f32 v7, v5;
	v5 =	vld [tilespmem:s24+$0xFFFFFFC0]  }
0x81: {  	v7 =	vld [tilespmem:s24+$0x40]  }
0x82: {  	v6 =	vmul.f32 v6, v10;
	v10 =	vld [tilespmem:s25+$0xFFFFFE50];
	v3 =	vmul.f32 v11, v3  }
0x83: {  	[tilespmem:s25+$0xB0] =	vst v2;
	v11 =	vld [tilespmem:s25+$0x40]  }
0x84: {  	v2 =	vld [tilespmem:s24+$0xC0];
	[tilespmem:s25+$0xFFFFFE40] =	vst v3;
	v3 =	vmul.f32 v8, v9  }
0x85: {  	v8 =	vld [tilespmem:s25+$0x140]  }
0x86: {  	v9 =	vld [tilespmem:s24+$0xFFFFFE50];
	[tilespmem:s25+$0xFFFFFEC0] =	vst v3  }
0x87: {  	[tilespmem:s25+$0xFFFFFF40] =	vst v6;
	v3 =	vmul.f32 v5, v56;
	v5 =	vld [tilespmem:s24+$0xFFFFFED0]  }
0x88: {  	v6 =	vmul.f32 v7, v11;
	v7 =	vld [tilespmem:s24+$0xFFFFFF50]  }
0x89: {  	v11 =	vld [tilespmem:s25+$0xFFFFFF50];
	[tilespmem:s25+$0xFFFFFFC0] =	vst v3  }
0x8a: {  	v2 =	vmul.f32 v2, v57;
	v3 =	vld [tilespmem:s24+$0xFFFFFFD0]  }
0x8b: {  	[tilespmem:s25+$0x40] =	vst v6;
	v4 =	vmul.f32 v4, v8;
	v8 =	vld [tilespmem:s25+$0xFFFFFED0]  }
0x8c: {  	[tilespmem:s25+$0xC0] =	vst v2;
	v6 =	vld [tilespmem:s24+$0x50]  }
0x8d: {  	v2 =	vld [tilespmem:s24+$0xD0]  }
0x8e: {  	v9 =	vmul.f32 v9, v10;
	v10 =	vld [tilespmem:s25+$0x50];
	[tilespmem:s25+$0x140] =	vst v4  }
0x8f: {  	v4 =	vld [tilespmem:s24+$0x150]  }
0x90: {  	[tilespmem:s25+$0xFFFFFE50] =	vst v9;
	v7 =	vmul.f32 v7, v11;
	v11 =	vld [tilespmem:s25+$0xFFFFFE60]  }
0x91: {  	v9 =	vld [tilespmem:s24+$0xFFFFFE60]  }
0x92: {  	v5 =	vmul.f32 v5, v8;
	v8 =	vld [tilespmem:s25+$0x150];
	[tilespmem:s25+$0xFFFFFF50] =	vst v7  }
0x93: {  	v3 =	vmul.f32 v3, v58;
	v7 =	vld [tilespmem:s24+$0xFFFFFF60]  }
0x94: {  	v6 =	vmul.f32 v6, v10;
	v10 =	vld [tilespmem:s25+$0xFFFFFF60];
	[tilespmem:s25+$0xFFFFFED0] =	vst v5  }
0x95: {  	v2 =	vmul.f32 v2, v59;
	[tilespmem:s25+$0xFFFFFFD0] =	vst v3;
	v5 =	vld [tilespmem:s24+$0xFFFFFEE0]  }
0x96: {  	v3 =	vld [tilespmem:s24+$0xFFFFFFE0];
	[tilespmem:s25+$0x50] =	vst v6  }
0x97: {  	[tilespmem:s25+$0xD0] =	vst v2;
	v6 =	vld [tilespmem:s24+$0x60]  }
0x98: {  	v2 =	vld [tilespmem:s24+$0xE0]  }
0x99: {  	v9 =	vmul.f32 v9, v11;
	v4 =	vmul.f32 v4, v8;
	v8 =	vld [tilespmem:s25+$0xFFFFFEE0]  }
0x9a: {  	v11 =	vld [tilespmem:s25+$0x60]  }
0x9b: {  	[tilespmem:s25+$0xFFFFFE60] =	vst v9;
	v9 =	vld [tilespmem:s25+$0xFFFFFF70]  }
0x9c: {  	v7 =	vmul.f32 v7, v10;
	[tilespmem:s25+$0x150] =	vst v4;
	v10 =	vld [tilespmem:s24+$0xFFFFFE70];
	v3 =	vmul.f32 v3, v60  }
0x9d: {  	v4 =	vld [tilespmem:s24+$0x160]  }
0x9e: {  	v5 =	vmul.f32 v5, v8;
	v8 =	vld [tilespmem:s25+$0x160];
	[tilespmem:s25+$0xFFFFFFE0] =	vst v3  }
0x9f: {  	[tilespmem:s25+$0xFFFFFF60] =	vst v7;
	v3 =	vld [tilespmem:s24+$0xFFFFFFF0]  }
0xa0: {  	v2 =	vmul.f32 v2, v61;
	[tilespmem:s25+$0xFFFFFEE0] =	vst v5;
	v5 =	vmul.f32 v6, v11;
	v6 =	vld [tilespmem:s24+$0xFFFFFF70]  }
0xa1: {  	v11 =	vld [tilespmem:s25+$0xFFFFFEF0]  }
0xa2: {  	[tilespmem:s25+$0xE0] =	vst v2;
	v63 =	vld [tilespmem:s24+$0xFFFFFEF0]  }
0xa3: {  	[tilespmem:s25+$0x60] =	vst v5;
	v5 =	vld [tilespmem:s24+$0xF0]  }
0xa4: {  	v7 =	vmul.f32 v4, v8;
	v4 =	vld [tilespmem:s24+$0x70]  }
0xa5: {  	v1 =	vmul.f32 v10, v62;
	v8 =	vld [tilespmem:s25+$0xFFFFFFF0]  }
0xa6: {  	[tilespmem:s25+$0x160] =	vst v7;
	v7 =	vld [tilespmem:s25+$0x70]  }
0xa7: {  	[tilespmem:s25+$0xFFFFFE70] =	vst v1;
	v1 =	vld [tilespmem:s25+$0x170]  }
0xa8: {  	s28 =	simm.s32 $0x4800;
	s26 =	simm.s32 $0x0;
	v2 =	vld [tilespmem:s24+$0x170];
	v10 =	vmul.f32 v63, v11  }
.LBB2_3:
0xa9: {  	v11 =	vld [tilespmem:s28+$0x180];
	v6 =	vmul.f32 v6, v9;
	s24 =	sadd.s32 $0x400, s24  }
0xaa: {  	s26 =	sadd.s32 $0x8, s26;
	v9 =	vld [tilespmem:s24+$0x180];
	[tilespmem:s25+$0xFFFFFEF0] =	vst v10;
	v3 =	vmul.f32 v3, v8  }
0xab: {  	p0 =	slt.u32 s26, $0x78;
	v8 =	vld [tilespmem:s24+$0xFFFFFE00];
	[tilespmem:s25+$0xFFFFFF70] =	vst v6;
	v4 =	vmul.f32 v4, v7  }
0xac: {  	v6 =	vld [tilespmem:s28+$0xFFFFFE80];
	[tilespmem:s25+$0xFFFFFFF0] =	vst v3;
	v0 =	vmul.f32 v5, v0  }
0xad: {  	v3 =	vld [tilespmem:s24+$0xFFFFFE80];
	[tilespmem:s25+$0x70] =	vst v4;
	v1 =	vmul.f32 v2, v1  }
0xae: {  	v2 =	vld [tilespmem:s28+$0xFFFFFF00];
	[tilespmem:s25+$0xF0] =	vst v0  }
0xaf: {  	v0 =	vld [tilespmem:s24+$0xFFFFFF00];
	v4 =	vmul.f32 v9, v11;
	[tilespmem:s25+$0x170] =	vst v1;
	s25 =	smov.u32 s28  }
0xb0: {  	v1 =	vld [tilespmem:s28+$0xFFFFFF80]  }
0xb1: {  	[tilespmem:s28+$0x180] =	vst v4;
	v4 =	vld [tilespmem:s28+$0x190]  }
0xb2: {  	v3 =	vmul.f32 v3, v6;
	v5 =	vld [tilespmem:s24+$0x190]  }
0xb3: {  	v6 =	vld [tilespmem:s24+$0xFFFFFF80]  }
0xb4: {  	[tilespmem:s28+$0xFFFFFE80] =	vst v3;
	v0 =	vmul.f32 v0, v2;
	v2 =	vld [tilespmem:s28+$0x0]  }
0xb5: {  	v3 =	vld [tilespmem:s24+$0x0]  }
0xb6: {  	[tilespmem:s28+$0xFFFFFF00] =	vst v0;
	v0 =	vld [tilespmem:s28+$0x80]  }
0xb7: {  	v7 =	vld [tilespmem:s24+$0x80];
	v4 =	vmul.f32 v5, v4  }
0xb8: {  	v1 =	vmul.f32 v6, v1;
	v5 =	vld [tilespmem:s28+$0x100]  }
0xb9: {  	[tilespmem:s28+$0x190] =	vst v4;
	v4 =	vld [tilespmem:s28+$0x1A0]  }
0xba: {  	[tilespmem:s28+$0xFFFFFF80] =	vst v1;
	v1 =	vmul.f32 v3, v2;
	v2 =	vld [tilespmem:s24+$0x1A0]  }
0xbb: {  	v3 =	vld [tilespmem:s24+$0x100]  }
0xbc: {  	v6 =	vld [tilespmem:s28+$0xFFFFFE00];
	[tilespmem:s28+$0x0] =	vst v1;
	v0 =	vmul.f32 v7, v0  }
0xbd: {  	v1 =	vld [tilespmem:s24+$0xFFFFFE90]  }
0xbe: {  	v7 =	vld [tilespmem:s24+$0xFFFFFF10];
	[tilespmem:s28+$0x80] =	vst v0  }
0xbf: {  	v0 =	vld [tilespmem:s24+$0xFFFFFF90];
	v2 =	vmul.f32 v2, v4  }
0xc0: {  	v4 =	vld [tilespmem:s24+$0x10];
	v3 =	vmul.f32 v3, v5  }
0xc1: {  	v5 =	vmul.f32 v8, v6;
	[tilespmem:s28+$0x1A0] =	vst v2;
	v2 =	vld [tilespmem:s28+$0x1B0]  }
0xc2: {  	[tilespmem:s28+$0x100] =	vst v3;
	v3 =	vld [tilespmem:s24+$0x1B0]  }
0xc3: {  	[tilespmem:s28+$0xFFFFFE00] =	vst v5;
	v5 =	vld [tilespmem:s24+$0x90]  }
0xc4: {  	v6 =	vld [tilespmem:s24+$0xFFFFFE10]  }
0xc5: {  	v8 =	vld [tilespmem:s24+$0x110]  }
0xc6: {  	v9 =	vld [tilespmem:s28+$0xFFFFFE10]  }
0xc7: {  	v10 =	vld [tilespmem:s28+$0xFFFFFE90];
	v2 =	vmul.f32 v3, v2  }
0xc8: {  	v3 =	vld [tilespmem:s28+$0xFFFFFF10]  }
0xc9: {  	[tilespmem:s28+$0x1B0] =	vst v2;
	v2 =	vld [tilespmem:s28+$0x1C0]  }
0xca: {  	v11 =	vld [tilespmem:s24+$0x1C0]  }
0xcb: {  	v6 =	vmul.f32 v6, v9;
	v9 =	vld [tilespmem:s28+$0xFFFFFF90]  }
0xcc: {  	v1 =	vmul.f32 v1, v10;
	v10 =	vld [tilespmem:s28+$0x10]  }
0xcd: {  	[tilespmem:s28+$0xFFFFFE10] =	vst v6;
	v3 =	vmul.f32 v7, v3;
	v6 =	vld [tilespmem:s28+$0x90]  }
0xce: {  	[tilespmem:s28+$0xFFFFFE90] =	vst v1;
	v1 =	vld [tilespmem:s28+$0x110]  }
0xcf: {  	v7 =	vld [tilespmem:s24+$0xFFFFFE20];
	[tilespmem:s28+$0xFFFFFF10] =	vst v3;
	v2 =	vmul.f32 v11, v2  }
0xd0: {  	v3 =	vld [tilespmem:s24+$0xFFFFFEA0];
	v0 =	vmul.f32 v0, v9  }
0xd1: {  	v4 =	vmul.f32 v4, v10;
	[tilespmem:s28+$0x1C0] =	vst v2;
	v2 =	vld [tilespmem:s28+$0x1D0]  }
0xd2: {  	[tilespmem:s28+$0xFFFFFF90] =	vst v0;
	v0 =	vmul.f32 v5, v6;
	v5 =	vld [tilespmem:s24+$0x1D0]  }
0xd3: {  	v6 =	vld [tilespmem:s24+$0xFFFFFF20];
	[tilespmem:s28+$0x10] =	vst v4;
	v1 =	vmul.f32 v8, v1  }
0xd4: {  	v4 =	vld [tilespmem:s24+$0xFFFFFFA0];
	[tilespmem:s28+$0x90] =	vst v0  }
0xd5: {  	v0 =	vld [tilespmem:s24+$0x20];
	[tilespmem:s28+$0x110] =	vst v1  }
0xd6: {  	v1 =	vld [tilespmem:s24+$0xA0]  }
0xd7: {  	v8 =	vld [tilespmem:s24+$0x120];
	v2 =	vmul.f32 v5, v2  }
0xd8: {  	v5 =	vld [tilespmem:s28+$0xFFFFFE20]  }
0xd9: {  	[tilespmem:s28+$0x1D0] =	vst v2;
	v2 =	vld [tilespmem:s28+$0x1E0]  }
0xda: {  	v9 =	vld [tilespmem:s24+$0x1E0]  }
0xdb: {  	v10 =	vld [tilespmem:s28+$0xFFFFFEA0]  }
0xdc: {  	v11 =	vld [tilespmem:s28+$0xFFFFFF20]  }
0xdd: {  	v5 =	vmul.f32 v7, v5;
	v7 =	vld [tilespmem:s28+$0xFFFFFFA0]  }
0xde: {  	v12 =	vld [tilespmem:s28+$0x20]  }
0xdf: {  	[tilespmem:s28+$0xFFFFFE20] =	vst v5;
	v5 =	vld [tilespmem:s28+$0xA0];
	v2 =	vmul.f32 v9, v2  }
0xe0: {  	v3 =	vmul.f32 v3, v10;
	v9 =	vld [tilespmem:s28+$0x120]  }
0xe1: {  	v6 =	vmul.f32 v6, v11;
	[tilespmem:s28+$0x1E0] =	vst v2;
	v2 =	vld [tilespmem:s28+$0x1F0]  }
0xe2: {  	[tilespmem:s28+$0xFFFFFEA0] =	vst v3;
	v3 =	vmul.f32 v4, v7;
	v4 =	vld [tilespmem:s24+$0x1F0]  }
0xe3: {  	v7 =	vld [tilespmem:s24+$0xFFFFFE30];
	[tilespmem:s28+$0xFFFFFF20] =	vst v6;
	v0 =	vmul.f32 v0, v12  }
0xe4: {  	v6 =	vld [tilespmem:s24+$0xFFFFFEB0];
	[tilespmem:s28+$0xFFFFFFA0] =	vst v3;
	v1 =	vmul.f32 v1, v5  }
0xe5: {  	v3 =	vld [tilespmem:s24+$0xFFFFFF30];
	[tilespmem:s28+$0x20] =	vst v0;
	v0 =	vmul.f32 v8, v9  }
0xe6: {  	v5 =	vld [tilespmem:s24+$0xFFFFFFB0];
	[tilespmem:s28+$0xA0] =	vst v1  }
0xe7: {  	v1 =	vld [tilespmem:s24+$0x30];
	[tilespmem:s28+$0x120] =	vst v0;
	v0 =	vmul.f32 v4, v2  }
0xe8: {  	v2 =	vld [tilespmem:s24+$0xB0]  }
0xe9: {  	v4 =	vld [tilespmem:s24+$0x130];
	[tilespmem:s28+$0x1F0] =	vst v0  }
0xea: {  	v0 =	vld [tilespmem:s28+$0xFFFFFE30]  }
0xeb: {  	v8 =	vld [tilespmem:s28+$0xFFFFFEB0]  }
0xec: {  	v9 =	vld [tilespmem:s28+$0xFFFFFF30]  }
0xed: {  	v10 =	vld [tilespmem:s28+$0xFFFFFFB0]  }
0xee: {  	v11 =	vld [tilespmem:s28+$0x30]  }
0xef: {  	v0 =	vmul.f32 v7, v0;
	v7 =	vld [tilespmem:s28+$0xB0]  }
0xf0: {  	v6 =	vmul.f32 v6, v8;
	v8 =	vld [tilespmem:s28+$0x130]  }
0xf1: {  	[tilespmem:s28+$0xFFFFFE30] =	vst v0;
	v0 =	vld [tilespmem:s28+$0xFFFFFE40];
	v3 =	vmul.f32 v3, v9  }
0xf2: {  	v9 =	vld [tilespmem:s24+$0xFFFFFE40];
	[tilespmem:s28+$0xFFFFFEB0] =	vst v6;
	v5 =	vmul.f32 v5, v10  }
0xf3: {  	v6 =	vld [tilespmem:s24+$0xFFFFFEC0];
	[tilespmem:s28+$0xFFFFFF30] =	vst v3;
	v1 =	vmul.f32 v1, v11  }
0xf4: {  	v3 =	vld [tilespmem:s24+$0xFFFFFF40];
	[tilespmem:s28+$0xFFFFFFB0] =	vst v5;
	v2 =	vmul.f32 v2, v7  }
0xf5: {  	v5 =	vld [tilespmem:s24+$0xFFFFFFC0];
	[tilespmem:s28+$0x30] =	vst v1;
	v1 =	vmul.f32 v4, v8  }
0xf6: {  	v4 =	vld [tilespmem:s24+$0x40];
	[tilespmem:s28+$0xB0] =	vst v2  }
0xf7: {  	v0 =	vmul.f32 v9, v0;
	v2 =	vld [tilespmem:s24+$0xC0];
	[tilespmem:s28+$0x130] =	vst v1  }
0xf8: {  	v1 =	vld [tilespmem:s24+$0x140]  }
0xf9: {  	[tilespmem:s28+$0xFFFFFE40] =	vst v0;
	v0 =	vld [tilespmem:s28+$0xFFFFFEC0]  }
0xfa: {  	v7 =	vld [tilespmem:s28+$0xFFFFFF40]  }
0xfb: {  	v8 =	vld [tilespmem:s28+$0xFFFFFFC0]  }
0xfc: {  	v9 =	vld [tilespmem:s28+$0x40]  }
0xfd: {  	v10 =	vld [tilespmem:s28+$0xC0]  }
0xfe: {  	v0 =	vmul.f32 v6, v0;
	v6 =	vld [tilespmem:s28+$0x140]  }
0xff: {  	v11 =	vld [tilespmem:s24+$0xFFFFFE50];
	v3 =	vmul.f32 v3, v7  }
0x100: {  	v7 =	vld [tilespmem:s28+$0xFFFFFE50];
	[tilespmem:s28+$0xFFFFFEC0] =	vst v0;
	v0 =	vmul.f32 v5, v8  }
0x101: {  	v5 =	vld [tilespmem:s24+$0xFFFFFED0];
	[tilespmem:s28+$0xFFFFFF40] =	vst v3;
	v3 =	vmul.f32 v4, v9  }
0x102: {  	v4 =	vld [tilespmem:s24+$0xFFFFFF50];
	[tilespmem:s28+$0xFFFFFFC0] =	vst v0;
	v0 =	vmul.f32 v2, v10  }
0x103: {  	v2 =	vld [tilespmem:s24+$0xFFFFFFD0];
	[tilespmem:s28+$0x40] =	vst v3;
	v1 =	vmul.f32 v1, v6  }
0x104: {  	v3 =	vld [tilespmem:s24+$0x50];
	[tilespmem:s28+$0xC0] =	vst v0  }
0x105: {  	v0 =	vmul.f32 v11, v7;
	v6 =	vld [tilespmem:s24+$0xD0];
	[tilespmem:s28+$0x140] =	vst v1  }
0x106: {  	v1 =	vld [tilespmem:s24+$0x150]  }
0x107: {  	[tilespmem:s28+$0xFFFFFE50] =	vst v0;
	v0 =	vld [tilespmem:s28+$0xFFFFFED0]  }
0x108: {  	v7 =	vld [tilespmem:s28+$0xFFFFFF50]  }
0x109: {  	v8 =	vld [tilespmem:s28+$0xFFFFFFD0]  }
0x10a: {  	v9 =	vld [tilespmem:s28+$0x50]  }
0x10b: {  	v10 =	vld [tilespmem:s28+$0xD0]  }
0x10c: {  	v0 =	vmul.f32 v5, v0;
	v5 =	vld [tilespmem:s28+$0x150]  }
0x10d: {  	v11 =	vld [tilespmem:s24+$0xFFFFFE60];
	v4 =	vmul.f32 v4, v7  }
0x10e: {  	v7 =	vld [tilespmem:s28+$0xFFFFFE60];
	[tilespmem:s28+$0xFFFFFED0] =	vst v0;
	v0 =	vmul.f32 v2, v8  }
0x10f: {  	v2 =	vld [tilespmem:s24+$0xFFFFFEE0];
	[tilespmem:s28+$0xFFFFFF50] =	vst v4;
	v3 =	vmul.f32 v3, v9  }
0x110: {  	v4 =	vld [tilespmem:s24+$0xFFFFFF60];
	[tilespmem:s28+$0xFFFFFFD0] =	vst v0;
	v0 =	vmul.f32 v6, v10  }
0x111: {  	v6 =	vld [tilespmem:s24+$0xFFFFFFE0];
	[tilespmem:s28+$0x50] =	vst v3;
	v1 =	vmul.f32 v1, v5  }
0x112: {  	v3 =	vld [tilespmem:s24+$0x60];
	[tilespmem:s28+$0xD0] =	vst v0  }
0x113: {  	v0 =	vmul.f32 v11, v7;
	v5 =	vld [tilespmem:s24+$0xE0];
	[tilespmem:s28+$0x150] =	vst v1  }
0x114: {  	v1 =	vld [tilespmem:s24+$0x160]  }
0x115: {  	[tilespmem:s28+$0xFFFFFE60] =	vst v0;
	v0 =	vld [tilespmem:s28+$0xFFFFFEE0]  }
0x116: {  	v7 =	vld [tilespmem:s28+$0xFFFFFF60]  }
0x117: {  	v8 =	vld [tilespmem:s28+$0xFFFFFFE0]  }
0x118: {  	v9 =	vld [tilespmem:s28+$0x60]  }
0x119: {  	v10 =	vld [tilespmem:s28+$0xE0]  }
0x11a: {  	v0 =	vmul.f32 v2, v0;
	v2 =	vld [tilespmem:s28+$0x160]  }
0x11b: {  	v11 =	vld [tilespmem:s24+$0xFFFFFE70];
	v4 =	vmul.f32 v4, v7  }
0x11c: {  	v7 =	vld [tilespmem:s28+$0xFFFFFE70];
	[tilespmem:s28+$0xFFFFFEE0] =	vst v0;
	v0 =	vmul.f32 v6, v8  }
0x11d: {  	v12 =	vld [tilespmem:s24+$0xFFFFFEF0];
	[tilespmem:s28+$0xFFFFFF60] =	vst v4;
	v4 =	vmul.f32 v3, v9  }
0x11e: {  	v6 =	vld [tilespmem:s24+$0xFFFFFF70];
	[tilespmem:s28+$0xFFFFFFE0] =	vst v0;
	v0 =	vmul.f32 v5, v10  }
0x11f: {  	v3 =	vld [tilespmem:s24+$0xFFFFFFF0];
	[tilespmem:s28+$0x60] =	vst v4;
	v1 =	vmul.f32 v1, v2  }
0x120: {  	v4 =	vld [tilespmem:s24+$0x70];
	[tilespmem:s28+$0xE0] =	vst v0  }
0x121: {  	v0 =	vmul.f32 v11, v7;
	v5 =	vld [tilespmem:s24+$0xF0];
	[tilespmem:s28+$0x160] =	vst v1  }
0x122: {  	v2 =	vld [tilespmem:s24+$0x170]  }
0x123: {  	[tilespmem:s28+$0xFFFFFE70] =	vst v0;
	v1 =	vld [tilespmem:s28+$0xFFFFFEF0]  }
.Ltmp0:
0x124: {  	v9 =	vld [tilespmem:s28+$0xFFFFFF70];
	(pc) =	sbr.rel @p0 .LBB2_3-.Ltmp0, $4  }
0x125: {  	v8 =	vld [tilespmem:s28+$0xFFFFFFF0]  }
0x126: {  	v7 =	vld [tilespmem:s28+$0x70]  }
0x127: {  	v0 =	vld [tilespmem:s28+$0xF0]  }
0x128: {  	s28 =	sadd.s32 $0x400, s28;
	v10 =	vmul.f32 v12, v1;
	v1 =	vld [tilespmem:s25+$0x170]  }
0x129: {  	v6 =	vmul.f32 v6, v9  }
0x12a: {  	s23 =	sadd.s32 $0x1, s23;
	[tilespmem:s25+$0xFFFFFEF0] =	vst v10;
	v3 =	vmul.f32 v3, v8  }
0x12b: {  	p0 =	sne.s32 s23, $0x4F;
	[tilespmem:s25+$0xFFFFFF70] =	vst v6;
	v4 =	vmul.f32 v4, v7  }
.Ltmp1:
0x12c: {  	[tilespmem:s25+$0xFFFFFFF0] =	vst v3;
	v0 =	vmul.f32 v5, v0;
	(pc) =	sbr.rel @p0 .LBB2_2-.Ltmp1, $4  }
0x12d: {  	[tilespmem:s25+$0x70] =	vst v4;
	v1 =	vmul.f32 v2, v1  }
0x12e: {  	[tilespmem:s25+$0xF0] =	vst v0  }
0x12f: {  	[tilespmem:s25+$0x170] =	vst v1  }
0x130: {  	[spmem:s2] =	stream.indirect.scatter.add.f32 [tilespmem:s17], [sflag:$0x3], $0x80, s20, s15, $0xb8;
	[tilespmem:$0x1BE00] =	vst v63  }
0x131: {  	_ =	swait.ge [sflag:s21], $0x4000  }
0x132: {  	s22 =	sadd.s32 $0x1, s22;
	[sflag:s21] =	ssyncset.done $0x0  }
0x133: {  	p0 =	sne.s32 s22, s12;
	[sflag:s21] =	ssyncadd.s32 $0xFFFFC000  }
.Ltmp2:
0x134: {  	[bflag:$0x0] =	sbarrier.arrive $0xFFFF;
	(pc) =	sbr.rel @p0 .LBB2_1-.Ltmp2, $4  }
0x135: {  	[hbm:s11], [sflag:s9] =	dma.local [spmem:s13], $0x2780  }
0x136: {  	_ =	swait.ge [sflag:s14], $0x2780  }
0x137: {  	[sflag:s14] =	ssyncset.done $0x0  }
0x138: {  	[sflag:s14] =	ssyncadd.s32 $0xFFFFD880  }
0x139: {  	_ =	sfence.sel $0x180000  }
0x13a: {  	[bflag:$0x0] =	sbarrier.arrive $0xFFFF  }
0x13b: {  	p0 =	sne.s32 s1, $0x0;
	_ =	strace $0x9000004A  }
0x13c: {  	s0 =	sadd.s32 @!p0 $0x100000, s0;
	[bflag:$0x2] =	sbarrier.arrive $0xFFFF  }
0x13d: {  	[sflag:s0] =	ssyncadd.tile.s32 @!p0 $0x1;
	_ =	shalt  }
.Lfunc_end2:
_tile_overlayer_lowered:
.L_overlay_start_2:
0x13e: {  	(tag) =	ssettag $0x2  }
0x13f: {  	s0 =	rddreg [dreg:$0x0];
	s2 =	stileid.u32  }
0x140: {  	s1 =	rddreg [dreg:$0x1];
	p0 =	sne.s32 s2, $0x0  }
0x141: {  	s3 =	rddreg [dreg:$0x2];
	[bflag:$0x3] =	sbarrier.arrive $0xFFFF;
	s2 =	simm.s32 @!p0 $0x1C04  }
0x142: {  	[timem:s3], [sflag:s2] =	dma.local @!p0 [hbm:s0], s1  }
0x143: {  	s0 =	simm.s32 @!p0 $0x4  }
0x144: {  	_ =	swait.ge @!p0 [sflag:s0], s1  }
0x145: {  	s1 =	ssub.s32 @!p0 $0x0, s1;
	[sflag:s0] =	ssyncset.done @!p0 $0x0  }
0x146: {  	[sflag:s0] =	ssyncadd.s32 @!p0 s1  }
0x147: {  	[bflag:$0x3] =	sbarrier.arrive $0xFFFF  }
0x148: {  	_ =	shalt  }

// kernel: kernel.8.cloned.1.call-start
scs
__scs_entry_jumppad:
0x0: {  	(pc) =	sbr.rel $0x88, $3  }
0x1: {  	(tag) =	ssettag $0x0;
	lr =	simm.s32 $0x1  }
0x2: {  	[smem:$0x3F9A] =	sst lr;
	_ =	strace $0xD0000000  }
0x3: {  	_ = 	snop  }
0x4: {  	_ = 	snop  }
0x5: {  	_ = 	snop  }
0x6: {  	_ = 	snop  }
0x7: {  	_ = 	snop  }
__scs_overlays_trampoline_lowered:
0x8: {  	[smem:$0x3FA9] =	sst s0  }
0x9: {  	[smem:$0x3FAA] =	sst s1  }
0xa: {  	[smem:$0x3FAB] =	sst s2  }
0xb: {  	[smem:$0x3FAC] =	sst s3  }
0xc: {  	[smem:$0x3FAD] =	sst s4  }
0xd: {  	[smem:$0x3FAE] =	sst s5  }
0xe: {  	[smem:$0x3FAF] =	sst s6  }
0xf: {  	[smem:$0x3FB0] =	sst s7  }
0x10: {  	[smem:$0x3FB1] =	sst s8  }
0x11: {  	[smem:$0x3FB2] =	sst s9;
	s0 =	simm.s32 @!p0 $0x0  }
0x12: {  	s1 =	sld [smem:$0x3F98];
	s0 =	simm.s32 @p0 $0x1  }
0x13: {  	[smem:$0x3FB3] =	sst s0;
	s0 =	simm.s32 @!p1 $0x0  }
0x14: {  	s2 =	sld [smem:$0x3F97];
	s0 =	simm.s32 @p1 $0x1  }
0x15: {  	[smem:$0x3FB4] =	sst s0;
	s0 =	simm.s32 @!p2 $0x0  }
0x16: {  	s3 =	sld [smem:$0x3FDB];
	s0 =	simm.s32 @p2 $0x1  }
0x17: {  	s4 =	simm.s32 $0x1BF5;
	[smem:$0x3FB6] =	sst s0  }
0x18: {  	s0 =	sld [smem:$0x3F99];
	_ =	swait.ge [sflag:s4], $0x0  }
0x19: {  	s7 =	sld [smem:$0x3F9A]  }
0x1a: {  	s8 =	sadd.s32 $0xFFFFE003, lr  }
0x1b: {  	s9 =	sadd.s32 $0xFFFFFEF7, lr;
	s5 =	simm.s32 $0xFFFFFFFF;
	p2 =	slt.u32 s8, $0xFFFFF086  }
0x1c: {  	p1 =	slt.u32 s9, $0xF7A;
	s5 =	simm.s32 @!p2 $0x0  }
0x1d: {  	s5 =	simm.s32 @p1 $0x1;
	p0 =	seq.s32 s7, s2  }
0x1e: {  	s7 =	smul.u32 @!p0 $0xF7A, s2;
	p2 =	seq.s32 @!p0 s5, $0x0  }
0x1f: {  	s9 =	smul.u32 $0xF7A, s1;
	s8 =	simm.s32 @!p0 $0x1BF5;
	p2 =	por !p2, p0  }
0x20: {  	[sflag:s8] =	ssyncset.s32 @!p0 $0xFFFFF086;
	s6 =	sadd.s32 @!p0 s3, s7;
	s7 =	simm.s32 @!p0 $0x108  }
0x21: {  	s3 =	sadd.s32 s3, s9;
	s6 =	sadd.s32 @!p0 $0x88, s6;
	s7 =	simm.s32 @p2 $0x1082  }
0x22: {  	[simem:s7], [sflag:s8] =	dma.local @!p0 [hbm:s6], $0xF7A  }
0x23: {  	s9 =	sor.u32 $0xD0000000, s2;
	s6 =	simm.s32 $0x108;
	_ =	swait.ge @!p0 [sflag:s8], $0x0  }
0x24: {  	s3 =	sadd.s32 $0x88, s3;
	s6 =	simm.s32 @!p1 $0x1082;
	[sflag:s4] =	ssyncset.s32 $0xFFFFF086  }
0x25: {  	[simem:s6], [sflag:s4] =	dma.local [hbm:s3], $0xF7A  }
0x26: {  	[smem:$0x3F9A] =	sst s1;
	(tag) =	ssettag s2;
	_ =	strace s9  }
0x27: {  	s1 =	sld [smem:$0x3FAA]  }
0x28: {  	s2 =	sld [smem:$0x3FAB]  }
0x29: {  	s4 =	sld [smem:$0x3FAD]  }
0x2a: {  	p0 =	seq.s32 s5, $0x0;
	s5 =	sld [smem:$0x3FAE]  }
0x2b: {  	s6 =	sld [smem:$0x3FAF]  }
0x2c: {  	s7 =	sld [smem:$0x3FB0]  }
0x2d: {  	s3 =	simm.s32 $0x108;
	s8 =	sld [smem:$0x3FB1]  }
0x2e: {  	s3 =	simm.s32 @!p0 $0x1082;
	s9 =	sld [smem:$0x3FB2]  }
0x2f: {  	lr =	sadd.s32 s0, s3;
	s0 =	sld [smem:$0x3FA9]  }
0x30: {  	s3 =	sld [smem:$0x3FAC]  }
0x31: {  	[smem:$0x3FB5] =	sst s10  }
0x32: {  	s10 =	sld [smem:$0x3FB3];
	_ =	sdelay $0x3  }
0x33: {  	p0 =	seq.s32 s10, $0x1;
	s10 =	sld [smem:$0x3FB5];
	_ =	sdelay $0x3  }
0x34: {  	[smem:$0x3FB5] =	sst s10  }
0x35: {  	s10 =	sld [smem:$0x3FB4];
	_ =	sdelay $0x3  }
0x36: {  	p1 =	seq.s32 s10, $0x1;
	s10 =	sld [smem:$0x3FB5];
	_ =	sdelay $0x3  }
0x37: {  	[smem:$0x3FB5] =	sst s10  }
0x38: {  	s10 =	sld [smem:$0x3FB6]  }
0x39: {  	_ = 	snop;
	(pc) =	sbr.ind lr, $3  }
0x3a: {  	_ = 	snop  }
0x3b: {  	_ = 	snop  }
0x3c: {  	p2 =	seq.s32 s10, $0x1;
	s10 =	sld [smem:$0x3FB5]  }
0x3d: {  	_ =	shalt  }
0x3e: {  	_ =	shalt  }
0x3f: {  	_ =	shalt  }
0x40: {  	_ =	shalt  }
0x41: {  	_ =	shalt  }
0x42: {  	_ =	shalt  }
0x43: {  	_ =	shalt  }
0x44: {  	_ =	shalt  }
0x45: {  	_ =	shalt  }
0x46: {  	_ =	shalt  }
0x47: {  	_ =	shalt  }
0x48: {  	_ =	shalt  }
0x49: {  	_ =	shalt  }
0x4a: {  	_ =	shalt  }
0x4b: {  	_ =	shalt  }
0x4c: {  	_ =	shalt  }
0x4d: {  	_ =	shalt  }
0x4e: {  	_ =	shalt  }
0x4f: {  	_ =	shalt  }
0x50: {  	_ =	shalt  }
0x51: {  	_ =	shalt  }
0x52: {  	_ =	shalt  }
0x53: {  	_ =	shalt  }
0x54: {  	_ =	shalt  }
0x55: {  	_ =	shalt  }
0x56: {  	_ =	shalt  }
0x57: {  	_ =	shalt  }
0x58: {  	_ =	shalt  }
0x59: {  	_ =	shalt  }
0x5a: {  	_ =	shalt  }
0x5b: {  	_ =	shalt  }
0x5c: {  	_ =	shalt  }
0x5d: {  	_ =	shalt  }
0x5e: {  	_ =	shalt  }
0x5f: {  	_ =	shalt  }
0x60: {  	_ =	shalt  }
0x61: {  	_ =	shalt  }
0x62: {  	_ =	shalt  }
0x63: {  	_ =	shalt  }
0x64: {  	_ =	shalt  }
0x65: {  	_ =	shalt  }
0x66: {  	_ =	shalt  }
0x67: {  	_ =	shalt  }
0x68: {  	_ =	shalt  }
0x69: {  	_ =	shalt  }
0x6a: {  	_ =	shalt  }
0x6b: {  	_ =	shalt  }
0x6c: {  	_ =	shalt  }
0x6d: {  	_ =	shalt  }
0x6e: {  	_ =	shalt  }
0x6f: {  	_ =	shalt  }
0x70: {  	_ =	shalt  }
0x71: {  	_ =	shalt  }
0x72: {  	_ =	shalt  }
0x73: {  	_ =	shalt  }
0x74: {  	_ =	shalt  }
0x75: {  	_ =	shalt  }
0x76: {  	_ =	shalt  }
0x77: {  	_ =	shalt  }
0x78: {  	_ =	shalt  }
0x79: {  	_ =	shalt  }
0x7a: {  	_ =	shalt  }
0x7b: {  	_ =	shalt  }
0x7c: {  	_ =	shalt  }
0x7d: {  	_ =	shalt  }
0x7e: {  	_ =	shalt  }
0x7f: {  	_ =	shalt  }
0x80: {  	_ =	shalt  }
0x81: {  	_ =	shalt  }
0x82: {  	_ =	shalt  }
0x83: {  	_ =	shalt  }
0x84: {  	_ =	shalt  }
0x85: {  	_ =	shalt  }
0x86: {  	_ =	shalt  }
0x87: {  	_ =	shalt  }
.Lfunc_end0:
.L_simem_size_0:
called_computation_lowered:
.L_overlay_start_0:
0x88: {  	s2 =	sld [smem:$0x3FD9]  }
0x89: {  	s3 =	sld [smem:$0x3FFE];
	_ =	sdelay $0x1  }
0x8a: {  	s1 =	srdreg.scid  }
0x8b: {  	s0 =	sand.u32 $0x1, s1  }
0x8c: {  	s17 =	sshll.u32 s0, $0xA;
	s2 =	sadd.s32 s3, s2  }
0x8d: {  	s2 =	sadd.s32 s2, s17  }
0x8e: {  	[smem:$0x3FC1] =	sst s2  }
0x8f: {  	_ = 	snop  }
0x90: {  	s2 =	sld [smem:$0x3FD0];
	(tm) =	ssettm $0x1  }
0x91: {  	s18 =	sld [smem:$0x3FFB];
	_ =	sdelay $0x3  }
0x92: {  	_ =	strace s18  }
0x93: {  	s3 =	sld [smem:$0x3FFC];
	_ =	sdelay $0x3  }
0x94: {  	_ =	strace s3  }
0x95: {  	s3 =	sld [smem:$0x3FFD];
	_ =	sdelay $0x3  }
0x96: {  	_ =	strace s3  }
0x97: {  	_ =	strace $0x8FFFFFFF  }
0x98: {  	s19 =	sld [smem:$0x3FDB];
	_ =	sdelay $0x1  }
0x99: {  	s4 =	simm.s32 $_scs_section_size  }
0x9a: {  	s5 =	simm.s32 $_size__tile_overlayer_lowered;
	s6 =	simm.s32 $_tile_overlayer_lowered  }
0x9b: {  	s22 =	simm.s32 $0x1BFF;
	s21 =	sshll.u32 s6, $0x1;
	s3 =	sadd.s32 s4, s19  }
0x9c: {  	s7 =	simm.s32 $0x0;
	s20 =	sshll.u32 s5, $0x1;
	s5 =	sadd.s32 s21, s3  }
0x9d: {  	[timem:s7], [sflag:s22] =	dma.local [hbm:s5], s20  }
0x9e: {  	_ =	swait.ge [sflag:s22], s20  }
0x9f: {  	s4 =	ssub.s32 $0x0, s20;
	[sflag:s22] =	ssyncset.done $0x0  }
0xa0: {  	[sflag:s22] =	ssyncadd.s32 s4;
	_ =	sdelay $0x1  }
0xa1: {  	s23 =	simm.s32 $0x1B8B  }
0xa2: {  	_ =	swait.ge [sflag:s23], $0x1  }
0xa3: {  	[sflag:s23] =	ssyncset.done $0x0  }
0xa4: {  	s25 =	simm.s32 $0x1B8E;
	s24 =	sld [smem:$0x3FFE];
	[sflag:s23] =	ssyncadd.s32 $0xFFFFFFFF  }
0xa5: {  	s26 =	simm.s32 $execute0_lowered;
	[smem:$0x3FD2] =	sst s25  }
0xa6: {  	s5 =	sshll.u32 s26, $0x1;
	_ =	strace $0x80000046;
	[dreg:$0x1] =	wrdreg $0xFFFFFFFF  }
0xa7: {  	s28 =	simm.s32 $_size_execute0_lowered;
	s3 =	sadd.s32 s3, s5;
	[dreg:$0x0] =	wrdreg $0x0  }
0xa8: {  	s5 =	sshll.u32 s28, $0x1;
	[dreg:$0x2] =	wrdreg s3  }
0xa9: {  	[dreg:$0x3] =	wrdreg s5  }
0xaa: {  	[dreg:$0x4] =	wrdreg $0xC0  }
0xab: {  	_ =	task [dreg:s7], $0x5FFFF  }
0xac: {  	[dreg:$0x1] =	wrdreg $0xFFFFFFFF  }
0xad: {  	[dreg:$0x0] =	wrdreg $0x60  }
0xae: {  	[dreg:$0x2] =	wrdreg s2  }
0xaf: {  	[dreg:$0x3] =	wrdreg s24  }
0xb0: {  	[dreg:$0x4] =	wrdreg $0x82000  }
0xb1: {  	[dreg:$0x5] =	wrdreg $0x1BE800  }
0xb2: {  	[dreg:$0x6] =	wrdreg $0x9  }
0xb3: {  	_ =	task.clear_ibuf [dreg:s7], $0x7FFFF;
	_ =	strace $0x90000046  }
0xb4: {  	s29 =	simm.s32 $0x9;
	_ =	strace $0x80000048  }
0xb5: {  	_ =	swait.ge [sflag:s29], $0x1  }
0xb6: {  	[sflag:s29] =	ssyncadd.s32 $0xFFFFFFFF  }
0xb7: {  	_ =	strace $0x90000048  }
0xb8: {  	_ =	sfence  }
0xb9: {  	s30 =	sld [smem:$0x0];
	_ =	sdelay $0x2  }
0xba: {  	s31 =	sshll.u32 s1, $0xD;
	s1 =	sshrl.u32 s1, $0x2  }
0xbb: {  	s3 =	sand.u32 $0x4000, s31;
	s1 =	sadd.s32 s1, s30  }
0xbc: {  	s0 =	sor.u32 s3, s0;
	s1 =	sshll.u32 s1, $0x11  }
0xbd: {  	s0 =	sor.u32 s1, s0  }
0xbe: {  	s0 =	sadd.s32 $0x8F2B, s0  }
0xbf: {  	[sflag:s0] =	ssyncadd.remote.s32 $0x1  }
0xc0: {  	_ =	sfence.sel $0xFFFF  }
0xc1: {  	[dreg:$0x0] =	wrdreg $0xFFFFFFFF;
	(pc) =	sbr.abs _section_cstart, $3  }
0xc2: {  	[dreg:$0x1] =	wrdreg $0xFFFFFFFF  }
0xc3: {  	_ =	task.clear_ibuf [dreg:s7], $0x2FFFF;
	_ =	strace $0x9FFFFFFF  }
0xc4: {  	(tm) =	ssettm $0x7FFFFFFF  }
0xc5: {  	_ =	shalt  }
tec
execute0_lowered:
.L_overlay_start_1:
0x0: {  	(tag) =	ssettag $0x1  }
0x1: {  	s1 =	rddreg [dreg:$0x0]  }
0x2: {  	s0 =	rddreg [dreg:$0x1]  }
0x3: {  	s3 =	rddreg [dreg:$0x2]  }
0x4: {  	s4 =	rddreg [dreg:$0x3];
	s5 =	simm.s32 $0x0  }
0x5: {  	s15 =	stileid.u32;
	s2 =	srdreg.scid;
	s18 =	simm.s32 $0x5  }
0x6: {  	s19 =	simm.s32 $0x1C0F8;
	s20 =	simm.s32 $0x80;
	s21 =	simm.s32 $0x200  }
0x7: {  	s28 =	simm.s32 $0x3;
	s29 =	simm.s32 $0x4;
	s8 =	smul.u32 $0x13C00, s15  }
0x8: {  	s30 =	simm.s32 $0x0;
	[smem:$0x7FF] =	sst s5;
	s10 =	smul.u32 $0x278, s15  }
0x9: {  	s2 =	sand.u32 $0x1, s2;
	s6 =	sadd.s32 $0x9D4000, s0;
	s14 =	smul.u32 $0x4F000, s15  }
0xa: {  	s7 =	sadd.s32 $0x2000, s0;
	s26 =	sshll.u32 s15, $0x6;
	s9 =	smul.u32 $0x13C000, s2  }
0xb: {  	_ =	strace $0x80000047;
	s22 =	smul.u32 $0x2780, s2;
	s13 =	ssub.s32 $0x2, s2  }
0xc: {  	s2 =	sshll.u32 s2, $0x4;
	s11 =	sshrl.u32 s8, $0x3;
	s12 =	sshrl.u32 s10, $0x3  }
0xd: {  	s23 =	sshrl.u32 s13, $0x1;
	s2 =	sor.u32 s15, s2;
	s24 =	sshrl.u32 s14, $0x2  }
0xe: {  	s8 =	sadd.s32 s8, s9;
	s11 =	sadd.s32 s11, s0;
	s12 =	sadd.s32 s12, s0  }
0xf: {  	s9 =	sadd.s32 s10, s22;
	s16 =	ssub.s32 s13, s23;
	s17 =	sadd.s32 s24, s3  }
0x10: {  	s13 =	smul.u32 $0x13C000, s2;
	s22 =	simm.s32 $0x4200;
	s23 =	simm.s32 $0x2  }
0x11: {  	s24 =	simm.s32 $0x1;
	s8 =	sshrl.u32 s8, $0x3;
	s9 =	sshrl.u32 s9, $0x3  }
0x12: {  	s25 =	sadd.s32 $0x2A000, s11;
	s31 =	sadd.s32 $0x51800, s12;
	s11 =	smul.u32 $0xA000, s2  }
0x13: {  	s12 =	sadd.s32 s10, s4;
	s16 =	smax.u32 s16, $0x1;
	s17 =	sshrl.u32 s17, $0x3  }
0x14: {  	s8 =	sadd.s32 s8, s0;
	s0 =	sadd.s32 s9, s0;
	[dreg:$0x5] =	wrdreg s25  }
0x15: {  	s9 =	sor.u32 $0x1C05, s26;
	[dreg:$0x6] =	wrdreg s31;
	s25 =	simm.s32 $0x100  }
0x16: {  	v0 =	vimm.f32 $1.000000000e+00;
	s26 =	simm.s32 $0x1BE00;
	s14 =	sadd.s32 $0x51E00, s8;
	s15 =	sadd.s32 $0xA0E00, s0  }
.LBB2_1:
0x17: {  	s0 =	rddreg [dreg:$0x5]  }
0x18: {  	[spmem:s17], [sflag:s9] =	dma.local [hbm:s0], $0x2780  }
0x19: {  	_ =	swait.ge [sflag:s18], $0x2780  }
0x1a: {  	[sflag:s18] =	ssyncset.done $0x0  }
0x1b: {  	s10 =	rddreg [dreg:$0x6];
	[sflag:s18] =	ssyncadd.s32 $0xFFFFD880  }
0x1c: {  	[tilespmem:s19], [sflag:$0x5] =	stream.linear.gather [hbm4b:s10+s5], $0x278, $0x38;
	[tilespmem:$0x1C378] =	vst v63  }
0x1d: {  	_ =	swait.ge [sflag:s18], $0x278  }
0x1e: {  	[sflag:s18] =	ssyncset.done $0x0  }
0x1f: {  	[sflag:s18] =	ssyncadd.s32 $0xFFFFFD88  }
0x20: {  	[spmem:s12] =	stream.linear.scatter [tilespmem:s19], [sflag:$0x5], $0x278, $0x38;
	[tilespmem:$0x1C378] =	vst v63  }
0x21: {  	_ =	swait.ge [sflag:s18], $0x278  }
0x22: {  	[sflag:s18] =	ssyncset.done $0x0  }
0x23: {  	[sflag:s18] =	ssyncadd.s32 $0xFFFFFD88  }
0x24: {  	[tilespmem:$0x1BE00] =	vst v0  }
0x25: {  	[tilespmem:$0x1BE10] =	vst v0  }
0x26: {  	[tilespmem:$0x1BE20] =	vst v0  }
0x27: {  	[tilespmem:$0x1BE30] =	vst v0  }
0x28: {  	[tilespmem:$0x1BE40] =	vst v0  }
0x29: {  	[tilespmem:$0x1BE50] =	vst v0  }
0x2a: {  	[tilespmem:$0x1BE60] =	vst v0  }
0x2b: {  	[tilespmem:$0x1BE70] =	vst v0  }
0x2c: {  	s31 =	simm.s32 $0x0;
	[bflag:$0x0] =	sbarrier.arrive $0xFFFF  }
.LBB2_2:
0x2d: {  	p0 =	seq.s32 s31, $0x0  }
0x2e: {  	s0 =	simm.s32 @!p0 $0x3  }
0x2f: {  	s2 =	sshll.u32 s31, $0x9;
	s10 =	sshll.u32 s31, $0x7;
	_ =	swait.ge @!p0 [sflag:s0], $0x4000  }
0x30: {  	s2 =	sand.u32 $0xF000, s2;
	s8 =	simm.s32 @!p0 $0x4;
	[sflag:s0] =	ssyncset.done @!p0 $0x0  }
0x31: {  	[sflag:s0] =	ssyncadd.s32 @!p0 $0xFFFFC000;
	s0 =	sadd.s32 s11, s2;
	s2 =	sand.u32 $0x380, s10  }
0x32: {  	_ =	swait.ge @!p0 [sflag:s8], $0x80;
	s0 =	sor.u32 s2, s0  }
0x33: {  	s10 =	sshll.u32 s31, $0xE;
	[sflag:s8] =	ssyncset.done @!p0 $0x0;
	s0 =	sshrl.u32 s0, $0x3  }
0x34: {  	[sflag:s8] =	ssyncadd.s32 @!p0 $0xFFFFFF80;
	s8 =	sadd.s32 s7, s0;
	s0 =	simm.s32 $0x400  }
0x35: {  	[tilespmem:s5], [sflag:$0x5] =	stream.strided.gather [hbm4b:s8+s20], $0x200, s0, s20, $0x38;
	[tilespmem:$0x1C378] =	vst v63  }
0x36: {  	s2 =	sadd.s32 s13, s10;
	_ =	swait.ge [sflag:s18], $0x200  }
0x37: {  	s2 =	sshrl.u32 s2, $0x3;
	[sflag:s18] =	ssyncset.done $0x0  }
0x38: {  	s2 =	sadd.s32 s6, s2;
	[sflag:s18] =	ssyncadd.s32 $0xFFFFFE00  }
0x39: {  	[tilespmem:s21], [sflag:$0x1] =	stream.linear.gather [hbm4b:s2+s5], $0x4000, $0x38;
	[tilespmem:$0x1C378] =	vst v63  }
0x3a: {  	_ = 	snop  }
0x3b: {  	[tilespmem:s22], [sflag:$0x2] =	stream.indirect.gather [hbm4b:s1+s20], $0x80, s5, s20, $0xb8;
	[tilespmem:$0x1C378] =	vst v63  }
0x3c: {  	_ =	swait.ge [sflag:s23], $0x4000  }
0x3d: {  	[sflag:s23] =	ssyncset.done $0x0  }
0x3e: {  	[sflag:s23] =	ssyncadd.s32 $0xFFFFC000  }
0x3f: {  	_ =	swait.ge [sflag:s24], $0x4000  }
0x40: {  	[sflag:s24] =	ssyncset.done $0x0  }
0x41: {  	s2 =	simm.s32 $0x4400;
	[sflag:s24] =	ssyncadd.s32 $0xFFFFC000  }
0x42: {  	v1 =	vld [tilespmem:s2+$0x180]  }
0x43: {  	v2 =	vld [tilespmem:s0+$0x180]  }
0x44: {  	v3 =	vld [tilespmem:s0+$0xFFFFFE00]  }
0x45: {  	v4 =	vld [tilespmem:s2+$0xFFFFFE80]  }
0x46: {  	v5 =	vld [tilespmem:s0+$0xFFFFFE80]  }
0x47: {  	v6 =	vld [tilespmem:s2+$0xFFFFFF00]  }
0x48: {  	v7 =	vld [tilespmem:s0+$0xFFFFFF00]  }
0x49: {  	v8 =	vld [tilespmem:s0+$0xFFFFFF80]  }
0x4a: {  	v10 =	vld [tilespmem:s2+$0x0]  }
0x4b: {  	v11 =	vld [tilespmem:s0+$0x0]  }
0x4c: {  	v12 =	vld [tilespmem:s2+$0x80]  }
0x4d: {  	v13 =	vld [tilespmem:s0+$0x80]  }
0x4e: {  	v14 =	vld [tilespmem:s2+$0x100]  }
0x4f: {  	v41 =	vld [tilespmem:s2+$0xFFFFFF10]  }
0x50: {  	v42 =	vld [tilespmem:s2+$0xFFFFFF90]  }
0x51: {  	v43 =	vld [tilespmem:s2+$0x10]  }
0x52: {  	v44 =	vld [tilespmem:s2+$0xFFFFFF20]  }
0x53: {  	v45 =	vld [tilespmem:s2+$0xFFFFFFA0]  }
0x54: {  	v46 =	vld [tilespmem:s2+$0x20]  }
0x55: {  	v15 =	vld [tilespmem:s2+$0xA0]  }
0x56: {  	v47 =	vld [tilespmem:s2+$0xFFFFFF30]  }
0x57: {  	v48 =	vld [tilespmem:s2+$0xFFFFFFB0]  }
0x58: {  	v49 =	vld [tilespmem:s2+$0x30]  }
0x59: {  	v51 =	vld [tilespmem:s2+$0xFFFFFFC0]  }
0x5a: {  	v52 =	vld [tilespmem:s2+$0x40];
	v1 =	vmul.f32 v2, v1  }
0x5b: {  	v53 =	vld [tilespmem:s2+$0xC0]  }
0x5c: {  	[tilespmem:s2+$0x180] =	vst v1;
	v1 =	vld [tilespmem:s2+$0x190]  }
0x5d: {  	v2 =	vld [tilespmem:s0+$0x190]  }
0x5e: {  	v54 =	vld [tilespmem:s2+$0xFFFFFF50]  }
0x5f: {  	v55 =	vld [tilespmem:s2+$0xFFFFFFD0]  }
0x60: {  	v56 =	vld [tilespmem:s2+$0xD0]  }
0x61: {  	v57 =	vld [tilespmem:s2+$0xFFFFFE60]  }
0x62: {  	v58 =	vld [tilespmem:s2+$0xFFFFFFE0];
	v1 =	vmul.f32 v2, v1  }
0x63: {  	v59 =	vld [tilespmem:s2+$0x60]  }
0x64: {  	[tilespmem:s2+$0x190] =	vst v1;
	v1 =	vld [tilespmem:s2+$0x1A0]  }
0x65: {  	v9 =	vld [tilespmem:s0+$0x1A0]  }
0x66: {  	v4 =	vmul.f32 v5, v4;
	v5 =	vld [tilespmem:s2+$0xFFFFFE00]  }
0x67: {  	v60 =	vld [tilespmem:s2+$0xE0]  }
0x68: {  	v2 =	vld [tilespmem:s2+$0xFFFFFF80]  }
0x69: {  	v61 =	vld [tilespmem:s2+$0xFFFFFE70]  }
0x6a: {  	v1 =	vmul.f32 v9, v1;
	v9 =	vld [tilespmem:s0+$0x100]  }
0x6b: {  	v63 =	vld [tilespmem:s2+$0xFFFFFEF0];
	[tilespmem:s2+$0xFFFFFE80] =	vst v4;
	v3 =	vmul.f32 v3, v5  }
0x6c: {  	[tilespmem:s2+$0x1A0] =	vst v1;
	v1 =	vmul.f32 v7, v6;
	v6 =	vld [tilespmem:s2+$0x1B0]  }
0x6d: {  	[tilespmem:s2+$0xFFFFFE00] =	vst v3;
	v2 =	vmul.f32 v8, v2;
	v4 =	vld [tilespmem:s0+$0x1B0]  }
0x6e: {  	v7 =	vld [tilespmem:s0+$0xFFFFFE90];
	[tilespmem:s2+$0xFFFFFF00] =	vst v1;
	v1 =	vmul.f32 v11, v10  }
0x6f: {  	[tilespmem:s2+$0xFFFFFF80] =	vst v2;
	v10 =	vld [tilespmem:s2+$0xFFFFFE10];
	v5 =	vmul.f32 v9, v14  }
0x70: {  	v2 =	vmul.f32 v13, v12;
	[tilespmem:s2+$0x0] =	vst v1;
	v1 =	vld [tilespmem:s0+$0xFFFFFF90]  }
0x71: {  	[tilespmem:s2+$0x100] =	vst v5;
	v5 =	vld [tilespmem:s0+$0xFFFFFE10]  }
0x72: {  	[tilespmem:s2+$0x80] =	vst v2;
	v2 =	vld [tilespmem:s0+$0x10];
	v4 =	vmul.f32 v4, v6  }
0x73: {  	v6 =	vld [tilespmem:s0+$0x110]  }
0x74: {  	[tilespmem:s2+$0x1B0] =	vst v4;
	v4 =	vld [tilespmem:s2+$0x1C0]  }
0x75: {  	v9 =	vld [tilespmem:s0+$0x1C0]  }
0x76: {  	v5 =	vmul.f32 v5, v10;
	v10 =	vld [tilespmem:s2+$0x110]  }
0x77: {  	v3 =	vld [tilespmem:s0+$0x90]  }
0x78: {  	v11 =	vld [tilespmem:s2+$0xFFFFFE90];
	v1 =	vmul.f32 v1, v42  }
0x79: {  	v8 =	vld [tilespmem:s0+$0xFFFFFF10];
	v2 =	vmul.f32 v2, v43  }
0x7a: {  	[tilespmem:s2+$0xFFFFFF90] =	vst v1;
	v4 =	vmul.f32 v9, v4;
	v9 =	vld [tilespmem:s2+$0x90]  }
0x7b: {  	[tilespmem:s2+$0x10] =	vst v2;
	v2 =	vmul.f32 v6, v10;
	v6 =	vld [tilespmem:s0+$0xFFFFFFA0]  }
0x7c: {  	v10 =	vld [tilespmem:s2+$0xFFFFFE20]  }
0x7d: {  	[tilespmem:s2+$0x1C0] =	vst v4;
	v4 =	vmul.f32 v7, v11;
	v7 =	vld [tilespmem:s2+$0x1D0]  }
0x7e: {  	v11 =	vld [tilespmem:s2+$0xFFFFFEA0]  }
0x7f: {  	[tilespmem:s2+$0xFFFFFE10] =	vst v5;
	v5 =	vmul.f32 v8, v41;
	v8 =	vld [tilespmem:s0+$0x1D0]  }
0x80: {  	[tilespmem:s2+$0xFFFFFE90] =	vst v4;
	v4 =	vld [tilespmem:s0+$0xFFFFFE20]  }
0x81: {  	[tilespmem:s2+$0xFFFFFF10] =	vst v5;
	v5 =	vld [tilespmem:s0+$0xFFFFFEA0];
	v1 =	vmul.f32 v3, v9  }
0x82: {  	v3 =	vld [tilespmem:s0+$0xFFFFFF20]  }
0x83: {  	v9 =	vld [tilespmem:s0+$0x20];
	[tilespmem:s2+$0x90] =	vst v1  }
0x84: {  	[tilespmem:s2+$0x110] =	vst v2;
	v1 =	vmul.f32 v8, v7;
	v7 =	vld [tilespmem:s0+$0xA0]  }
0x85: {  	v8 =	vld [tilespmem:s0+$0x120]  }
0x86: {  	[tilespmem:s2+$0x1D0] =	vst v1;
	v1 =	vld [tilespmem:s2+$0x1E0];
	v5 =	vmul.f32 v5, v11  }
0x87: {  	v3 =	vmul.f32 v3, v44;
	v2 =	vld [tilespmem:s0+$0x1E0]  }
0x88: {  	v11 =	vld [tilespmem:s2+$0xFFFFFEB0];
	[tilespmem:s2+$0xFFFFFEA0] =	vst v5;
	v5 =	vmul.f32 v6, v45  }
0x89: {  	[tilespmem:s2+$0xFFFFFF20] =	vst v3;
	v3 =	vmul.f32 v9, v46;
	v9 =	vld [tilespmem:s0+$0xFFFFFEB0]  }
0x8a: {  	[tilespmem:s2+$0xFFFFFFA0] =	vst v5;
	v5 =	vmul.f32 v7, v15;
	v7 =	vld [tilespmem:s0+$0xFFFFFF30]  }
0x8b: {  	[tilespmem:s2+$0x20] =	vst v3;
	v3 =	vld [tilespmem:s0+$0xFFFFFFB0]  }
0x8c: {  	v1 =	vmul.f32 v2, v1;
	v2 =	vmul.f32 v4, v10;
	v4 =	vld [tilespmem:s2+$0x120]  }
0x8d: {  	[tilespmem:s2+$0xA0] =	vst v5;
	v5 =	vld [tilespmem:s0+$0x30]  }
0x8e: {  	[tilespmem:s2+$0x1E0] =	vst v1;
	v1 =	vld [tilespmem:s2+$0x1F0]  }
0x8f: {  	v9 =	vmul.f32 v9, v11;
	v11 =	vld [tilespmem:s2+$0x130]  }
0x90: {  	[tilespmem:s2+$0xFFFFFE20] =	vst v2;
	v2 =	vld [tilespmem:s0+$0x1F0]  }
0x91: {  	v6 =	vld [tilespmem:s0+$0xFFFFFE30];
	v4 =	vmul.f32 v8, v4  }
0x92: {  	v8 =	vld [tilespmem:s0+$0xB0]  }
0x93: {  	v7 =	vmul.f32 v7, v47;
	[tilespmem:s2+$0x120] =	vst v4;
	v4 =	vld [tilespmem:s2+$0xFFFFFE30]  }
0x94: {  	[tilespmem:s2+$0xFFFFFEB0] =	vst v9;
	v10 =	vld [tilespmem:s0+$0x130]  }
0x95: {  	v9 =	vld [tilespmem:s0+$0xFFFFFEC0];
	[tilespmem:s2+$0xFFFFFF30] =	vst v7;
	v1 =	vmul.f32 v2, v1  }
0x96: {  	v7 =	vld [tilespmem:s0+$0xFFFFFF40]  }
0x97: {  	v5 =	vmul.f32 v5, v49;
	[tilespmem:s2+$0x1F0] =	vst v1;
	v1 =	vld [tilespmem:s2+$0xF0]  }
0x98: {  	v4 =	vmul.f32 v6, v4;
	v6 =	vld [tilespmem:s2+$0xB0]  }
0x99: {  	[tilespmem:s2+$0x30] =	vst v5;
	v5 =	vmul.f32 v10, v11;
	v11 =	vld [tilespmem:s2+$0xFFFFFF40]  }
0x9a: {  	[tilespmem:s2+$0xFFFFFE30] =	vst v4;
	v4 =	vld [tilespmem:s2+$0xFFFFFE40]  }
0x9b: {  	v50 =	vld [tilespmem:s0+$0xFFFFFE40]  }
0x9c: {  	v3 =	vmul.f32 v3, v48;
	v10 =	vld [tilespmem:s2+$0xFFFFFEC0];
	[tilespmem:s2+$0x130] =	vst v5  }
0x9d: {  	v5 =	vld [tilespmem:s0+$0x140]  }
0x9e: {  	[tilespmem:s2+$0xFFFFFFB0] =	vst v3;
	v3 =	vmul.f32 v8, v6;
	v8 =	vld [tilespmem:s0+$0x40]  }
0x9f: {  	v6 =	vld [tilespmem:s0+$0xFFFFFFC0];
	v7 =	vmul.f32 v7, v11  }
0xa0: {  	v11 =	vld [tilespmem:s2+$0xFFFFFE50];
	[tilespmem:s2+$0xB0] =	vst v3;
	v4 =	vmul.f32 v50, v4  }
0xa1: {  	v3 =	vld [tilespmem:s0+$0xC0];
	[tilespmem:s2+$0xFFFFFF40] =	vst v7  }
0xa2: {  	[tilespmem:s2+$0xFFFFFE40] =	vst v4;
	v4 =	vmul.f32 v9, v10;
	v9 =	vld [tilespmem:s2+$0x140]  }
0xa3: {  	v7 =	vmul.f32 v8, v52;
	v8 =	vld [tilespmem:s0+$0xFFFFFF50]  }
0xa4: {  	v10 =	vld [tilespmem:s0+$0xFFFFFE50];
	[tilespmem:s2+$0xFFFFFEC0] =	vst v4;
	v4 =	vmul.f32 v6, v51  }
0xa5: {  	[tilespmem:s2+$0x40] =	vst v7;
	v6 =	vld [tilespmem:s0+$0xFFFFFED0]  }
0xa6: {  	v3 =	vmul.f32 v3, v53;
	v7 =	vld [tilespmem:s0+$0x50];
	[tilespmem:s2+$0xFFFFFFC0] =	vst v4  }
0xa7: {  	v4 =	vld [tilespmem:s0+$0xFFFFFFD0]  }
0xa8: {  	v5 =	vmul.f32 v5, v9;
	[tilespmem:s2+$0xC0] =	vst v3;
	v9 =	vld [tilespmem:s2+$0xFFFFFED0]  }
0xa9: {  	v8 =	vmul.f32 v8, v54;
	v3 =	vld [tilespmem:s0+$0xD0]  }
0xaa: {  	v10 =	vmul.f32 v10, v11;
	v11 =	vld [tilespmem:s2+$0x50];
	[tilespmem:s2+$0x140] =	vst v5  }
0xab: {  	[tilespmem:s2+$0xFFFFFF50] =	vst v8;
	v5 =	vld [tilespmem:s0+$0x150]  }
0xac: {  	[tilespmem:s2+$0xFFFFFE50] =	vst v10;
	v8 =	vld [tilespmem:s0+$0xFFFFFF60]  }
0xad: {  	v10 =	vld [tilespmem:s0+$0xFFFFFE60];
	v6 =	vmul.f32 v6, v9  }
0xae: {  	v9 =	vld [tilespmem:s2+$0x150];
	v4 =	vmul.f32 v4, v55  }
0xaf: {  	v7 =	vmul.f32 v7, v11;
	v11 =	vld [tilespmem:s2+$0xFFFFFF60];
	[tilespmem:s2+$0xFFFFFED0] =	vst v6  }
0xb0: {  	[tilespmem:s2+$0xFFFFFFD0] =	vst v4;
	v6 =	vld [tilespmem:s0+$0xFFFFFEE0]  }
0xb1: {  	v3 =	vmul.f32 v3, v56;
	v4 =	vld [tilespmem:s0+$0xFFFFFFE0];
	[tilespmem:s2+$0x50] =	vst v7  }
0xb2: {  	v7 =	vld [tilespmem:s0+$0x60]  }
0xb3: {  	[tilespmem:s2+$0xD0] =	vst v3;
	v10 =	vmul.f32 v10, v57;
	v5 =	vmul.f32 v5, v9;
	v9 =	vld [tilespmem:s2+$0xFFFFFEE0]  }
0xb4: {  	v3 =	vld [tilespmem:s0+$0xE0]  }
0xb5: {  	[tilespmem:s2+$0xFFFFFE60] =	vst v10;
	v10 =	vld [tilespmem:s2+$0xFFFFFF70]  }
0xb6: {  	v8 =	vmul.f32 v8, v11;
	[tilespmem:s2+$0x150] =	vst v5;
	v11 =	vld [tilespmem:s0+$0xFFFFFE70];
	v4 =	vmul.f32 v4, v58  }
0xb7: {  	v5 =	vld [tilespmem:s0+$0x160]  }
0xb8: {  	v6 =	vmul.f32 v6, v9;
	v9 =	vld [tilespmem:s2+$0x160];
	[tilespmem:s2+$0xFFFFFFE0] =	vst v4  }
0xb9: {  	[tilespmem:s2+$0xFFFFFF60] =	vst v8;
	v3 =	vmul.f32 v3, v60;
	v4 =	vld [tilespmem:s0+$0xFFFFFFF0]  }
0xba: {  	[tilespmem:s2+$0xFFFFFEE0] =	vst v6;
	v6 =	vmul.f32 v7, v59;
	v7 =	vld [tilespmem:s0+$0xFFFFFF70]  }
0xbb: {  	[tilespmem:s2+$0xE0] =	vst v3;
	v62 =	vld [tilespmem:s0+$0xFFFFFEF0]  }
0xbc: {  	[tilespmem:s2+$0x60] =	vst v6;
	v6 =	vld [tilespmem:s0+$0xF0]  }
0xbd: {  	v8 =	vmul.f32 v5, v9;
	v5 =	vld [tilespmem:s0+$0x70]  }
0xbe: {  	v2 =	vmul.f32 v11, v61;
	v9 =	vld [tilespmem:s2+$0xFFFFFFF0]  }
0xbf: {  	[tilespmem:s2+$0x160] =	vst v8;
	v8 =	vld [tilespmem:s2+$0x70]  }
0xc0: {  	[tilespmem:s2+$0xFFFFFE70] =	vst v2;
	v2 =	vld [tilespmem:s2+$0x170]  }
0xc1: {  	s10 =	simm.s32 $0x4800;
	s8 =	simm.s32 $0x0;
	v3 =	vld [tilespmem:s0+$0x170];
	v11 =	vmul.f32 v62, v63  }
.LBB2_3:
0xc2: {  	v12 =	vld [tilespmem:s10+$0x180];
	v7 =	vmul.f32 v7, v10;
	s0 =	sadd.s32 $0x400, s0  }
0xc3: {  	s8 =	sadd.s32 $0x8, s8;
	v10 =	vld [tilespmem:s0+$0x180];
	[tilespmem:s2+$0xFFFFFEF0] =	vst v11;
	v4 =	vmul.f32 v4, v9  }
0xc4: {  	p0 =	slt.u32 s8, $0x78;
	v9 =	vld [tilespmem:s0+$0xFFFFFE00];
	[tilespmem:s2+$0xFFFFFF70] =	vst v7;
	v5 =	vmul.f32 v5, v8  }
0xc5: {  	v7 =	vld [tilespmem:s10+$0xFFFFFE80];
	[tilespmem:s2+$0xFFFFFFF0] =	vst v4;
	v1 =	vmul.f32 v6, v1  }
0xc6: {  	v4 =	vld [tilespmem:s0+$0xFFFFFE80];
	[tilespmem:s2+$0x70] =	vst v5;
	v2 =	vmul.f32 v3, v2  }
0xc7: {  	v3 =	vld [tilespmem:s10+$0xFFFFFF00];
	[tilespmem:s2+$0xF0] =	vst v1  }
0xc8: {  	v1 =	vld [tilespmem:s0+$0xFFFFFF00];
	v5 =	vmul.f32 v10, v12;
	[tilespmem:s2+$0x170] =	vst v2;
	s2 =	smov.u32 s10  }
0xc9: {  	v2 =	vld [tilespmem:s10+$0xFFFFFF80]  }
0xca: {  	[tilespmem:s10+$0x180] =	vst v5;
	v5 =	vld [tilespmem:s10+$0x190]  }
0xcb: {  	v4 =	vmul.f32 v4, v7;
	v6 =	vld [tilespmem:s0+$0x190]  }
0xcc: {  	v7 =	vld [tilespmem:s0+$0xFFFFFF80]  }
0xcd: {  	[tilespmem:s10+$0xFFFFFE80] =	vst v4;
	v1 =	vmul.f32 v1, v3;
	v3 =	vld [tilespmem:s10+$0x0]  }
0xce: {  	v4 =	vld [tilespmem:s0+$0x0]  }
0xcf: {  	[tilespmem:s10+$0xFFFFFF00] =	vst v1;
	v1 =	vld [tilespmem:s10+$0x80]  }
0xd0: {  	v8 =	vld [tilespmem:s0+$0x80];
	v5 =	vmul.f32 v6, v5  }
0xd1: {  	v2 =	vmul.f32 v7, v2;
	v6 =	vld [tilespmem:s10+$0x100]  }
0xd2: {  	[tilespmem:s10+$0x190] =	vst v5;
	v5 =	vld [tilespmem:s10+$0x1A0]  }
0xd3: {  	[tilespmem:s10+$0xFFFFFF80] =	vst v2;
	v2 =	vmul.f32 v4, v3;
	v3 =	vld [tilespmem:s0+$0x1A0]  }
0xd4: {  	v4 =	vld [tilespmem:s0+$0x100]  }
0xd5: {  	v7 =	vld [tilespmem:s10+$0xFFFFFE00];
	[tilespmem:s10+$0x0] =	vst v2;
	v1 =	vmul.f32 v8, v1  }
0xd6: {  	v2 =	vld [tilespmem:s0+$0xFFFFFE90]  }
0xd7: {  	v8 =	vld [tilespmem:s0+$0xFFFFFF10];
	[tilespmem:s10+$0x80] =	vst v1  }
0xd8: {  	v1 =	vld [tilespmem:s0+$0xFFFFFF90];
	v3 =	vmul.f32 v3, v5  }
0xd9: {  	v5 =	vld [tilespmem:s0+$0x10];
	v4 =	vmul.f32 v4, v6  }
0xda: {  	v6 =	vmul.f32 v9, v7;
	[tilespmem:s10+$0x1A0] =	vst v3;
	v3 =	vld [tilespmem:s10+$0x1B0]  }
0xdb: {  	[tilespmem:s10+$0x100] =	vst v4;
	v4 =	vld [tilespmem:s0+$0x1B0]  }
0xdc: {  	[tilespmem:s10+$0xFFFFFE00] =	vst v6;
	v6 =	vld [tilespmem:s0+$0x90]  }
0xdd: {  	v7 =	vld [tilespmem:s0+$0xFFFFFE10]  }
0xde: {  	v9 =	vld [tilespmem:s0+$0x110]  }
0xdf: {  	v10 =	vld [tilespmem:s10+$0xFFFFFE10]  }
0xe0: {  	v11 =	vld [tilespmem:s10+$0xFFFFFE90];
	v3 =	vmul.f32 v4, v3  }
0xe1: {  	v4 =	vld [tilespmem:s10+$0xFFFFFF10]  }
0xe2: {  	[tilespmem:s10+$0x1B0] =	vst v3;
	v3 =	vld [tilespmem:s10+$0x1C0]  }
0xe3: {  	v12 =	vld [tilespmem:s0+$0x1C0]  }
0xe4: {  	v7 =	vmul.f32 v7, v10;
	v10 =	vld [tilespmem:s10+$0xFFFFFF90]  }
0xe5: {  	v2 =	vmul.f32 v2, v11;
	v11 =	vld [tilespmem:s10+$0x10]  }
0xe6: {  	[tilespmem:s10+$0xFFFFFE10] =	vst v7;
	v4 =	vmul.f32 v8, v4;
	v7 =	vld [tilespmem:s10+$0x90]  }
0xe7: {  	[tilespmem:s10+$0xFFFFFE90] =	vst v2;
	v2 =	vld [tilespmem:s10+$0x110]  }
0xe8: {  	v8 =	vld [tilespmem:s0+$0xFFFFFE20];
	[tilespmem:s10+$0xFFFFFF10] =	vst v4;
	v3 =	vmul.f32 v12, v3  }
0xe9: {  	v4 =	vld [tilespmem:s0+$0xFFFFFEA0];
	v1 =	vmul.f32 v1, v10  }
0xea: {  	v5 =	vmul.f32 v5, v11;
	[tilespmem:s10+$0x1C0] =	vst v3;
	v3 =	vld [tilespmem:s10+$0x1D0]  }
0xeb: {  	[tilespmem:s10+$0xFFFFFF90] =	vst v1;
	v1 =	vmul.f32 v6, v7;
	v6 =	vld [tilespmem:s0+$0x1D0]  }
0xec: {  	v7 =	vld [tilespmem:s0+$0xFFFFFF20];
	[tilespmem:s10+$0x10] =	vst v5;
	v2 =	vmul.f32 v9, v2  }
0xed: {  	v5 =	vld [tilespmem:s0+$0xFFFFFFA0];
	[tilespmem:s10+$0x90] =	vst v1  }
0xee: {  	v1 =	vld [tilespmem:s0+$0x20];
	[tilespmem:s10+$0x110] =	vst v2  }
0xef: {  	v2 =	vld [tilespmem:s0+$0xA0]  }
0xf0: {  	v9 =	vld [tilespmem:s0+$0x120];
	v3 =	vmul.f32 v6, v3  }
0xf1: {  	v6 =	vld [tilespmem:s10+$0xFFFFFE20]  }
0xf2: {  	[tilespmem:s10+$0x1D0] =	vst v3;
	v3 =	vld [tilespmem:s10+$0x1E0]  }
0xf3: {  	v10 =	vld [tilespmem:s0+$0x1E0]  }
0xf4: {  	v11 =	vld [tilespmem:s10+$0xFFFFFEA0]  }
0xf5: {  	v12 =	vld [tilespmem:s10+$0xFFFFFF20]  }
0xf6: {  	v6 =	vmul.f32 v8, v6;
	v8 =	vld [tilespmem:s10+$0xFFFFFFA0]  }
0xf7: {  	v13 =	vld [tilespmem:s10+$0x20]  }
0xf8: {  	[tilespmem:s10+$0xFFFFFE20] =	vst v6;
	v6 =	vld [tilespmem:s10+$0xA0];
	v3 =	vmul.f32 v10, v3  }
0xf9: {  	v4 =	vmul.f32 v4, v11;
	v10 =	vld [tilespmem:s10+$0x120]  }
0xfa: {  	v7 =	vmul.f32 v7, v12;
	[tilespmem:s10+$0x1E0] =	vst v3;
	v3 =	vld [tilespmem:s10+$0x1F0]  }
0xfb: {  	[tilespmem:s10+$0xFFFFFEA0] =	vst v4;
	v4 =	vmul.f32 v5, v8;
	v5 =	vld [tilespmem:s0+$0x1F0]  }
0xfc: {  	v8 =	vld [tilespmem:s0+$0xFFFFFE30];
	[tilespmem:s10+$0xFFFFFF20] =	vst v7;
	v1 =	vmul.f32 v1, v13  }
0xfd: {  	v7 =	vld [tilespmem:s0+$0xFFFFFEB0];
	[tilespmem:s10+$0xFFFFFFA0] =	vst v4;
	v2 =	vmul.f32 v2, v6  }
0xfe: {  	v4 =	vld [tilespmem:s0+$0xFFFFFF30];
	[tilespmem:s10+$0x20] =	vst v1;
	v1 =	vmul.f32 v9, v10  }
0xff: {  	v6 =	vld [tilespmem:s0+$0xFFFFFFB0];
	[tilespmem:s10+$0xA0] =	vst v2  }
0x100: {  	v2 =	vld [tilespmem:s0+$0x30];
	[tilespmem:s10+$0x120] =	vst v1;
	v1 =	vmul.f32 v5, v3  }
0x101: {  	v3 =	vld [tilespmem:s0+$0xB0]  }
0x102: {  	v5 =	vld [tilespmem:s0+$0x130];
	[tilespmem:s10+$0x1F0] =	vst v1  }
0x103: {  	v1 =	vld [tilespmem:s10+$0xFFFFFE30]  }
0x104: {  	v9 =	vld [tilespmem:s10+$0xFFFFFEB0]  }
0x105: {  	v10 =	vld [tilespmem:s10+$0xFFFFFF30]  }
0x106: {  	v11 =	vld [tilespmem:s10+$0xFFFFFFB0]  }
0x107: {  	v12 =	vld [tilespmem:s10+$0x30]  }
0x108: {  	v1 =	vmul.f32 v8, v1;
	v8 =	vld [tilespmem:s10+$0xB0]  }
0x109: {  	v7 =	vmul.f32 v7, v9;
	v9 =	vld [tilespmem:s10+$0x130]  }
0x10a: {  	[tilespmem:s10+$0xFFFFFE30] =	vst v1;
	v1 =	vld [tilespmem:s10+$0xFFFFFE40];
	v4 =	vmul.f32 v4, v10  }
0x10b: {  	v10 =	vld [tilespmem:s0+$0xFFFFFE40];
	[tilespmem:s10+$0xFFFFFEB0] =	vst v7;
	v6 =	vmul.f32 v6, v11  }
0x10c: {  	v7 =	vld [tilespmem:s0+$0xFFFFFEC0];
	[tilespmem:s10+$0xFFFFFF30] =	vst v4;
	v2 =	vmul.f32 v2, v12  }
0x10d: {  	v4 =	vld [tilespmem:s0+$0xFFFFFF40];
	[tilespmem:s10+$0xFFFFFFB0] =	vst v6;
	v3 =	vmul.f32 v3, v8  }
0x10e: {  	v6 =	vld [tilespmem:s0+$0xFFFFFFC0];
	[tilespmem:s10+$0x30] =	vst v2;
	v2 =	vmul.f32 v5, v9  }
0x10f: {  	v5 =	vld [tilespmem:s0+$0x40];
	[tilespmem:s10+$0xB0] =	vst v3  }
0x110: {  	v1 =	vmul.f32 v10, v1;
	v3 =	vld [tilespmem:s0+$0xC0];
	[tilespmem:s10+$0x130] =	vst v2  }
0x111: {  	v2 =	vld [tilespmem:s0+$0x140]  }
0x112: {  	[tilespmem:s10+$0xFFFFFE40] =	vst v1;
	v1 =	vld [tilespmem:s10+$0xFFFFFEC0]  }
0x113: {  	v8 =	vld [tilespmem:s10+$0xFFFFFF40]  }
0x114: {  	v9 =	vld [tilespmem:s10+$0xFFFFFFC0]  }
0x115: {  	v10 =	vld [tilespmem:s10+$0x40]  }
0x116: {  	v11 =	vld [tilespmem:s10+$0xC0]  }
0x117: {  	v1 =	vmul.f32 v7, v1;
	v7 =	vld [tilespmem:s10+$0x140]  }
0x118: {  	v12 =	vld [tilespmem:s0+$0xFFFFFE50];
	v4 =	vmul.f32 v4, v8  }
0x119: {  	v8 =	vld [tilespmem:s10+$0xFFFFFE50];
	[tilespmem:s10+$0xFFFFFEC0] =	vst v1;
	v1 =	vmul.f32 v6, v9  }
0x11a: {  	v6 =	vld [tilespmem:s0+$0xFFFFFED0];
	[tilespmem:s10+$0xFFFFFF40] =	vst v4;
	v4 =	vmul.f32 v5, v10  }
0x11b: {  	v5 =	vld [tilespmem:s0+$0xFFFFFF50];
	[tilespmem:s10+$0xFFFFFFC0] =	vst v1;
	v1 =	vmul.f32 v3, v11  }
0x11c: {  	v3 =	vld [tilespmem:s0+$0xFFFFFFD0];
	[tilespmem:s10+$0x40] =	vst v4;
	v2 =	vmul.f32 v2, v7  }
0x11d: {  	v4 =	vld [tilespmem:s0+$0x50];
	[tilespmem:s10+$0xC0] =	vst v1  }
0x11e: {  	v1 =	vmul.f32 v12, v8;
	v7 =	vld [tilespmem:s0+$0xD0];
	[tilespmem:s10+$0x140] =	vst v2  }
0x11f: {  	v2 =	vld [tilespmem:s0+$0x150]  }
0x120: {  	[tilespmem:s10+$0xFFFFFE50] =	vst v1;
	v1 =	vld [tilespmem:s10+$0xFFFFFED0]  }
0x121: {  	v8 =	vld [tilespmem:s10+$0xFFFFFF50]  }
0x122: {  	v9 =	vld [tilespmem:s10+$0xFFFFFFD0]  }
0x123: {  	v10 =	vld [tilespmem:s10+$0x50]  }
0x124: {  	v11 =	vld [tilespmem:s10+$0xD0]  }
0x125: {  	v1 =	vmul.f32 v6, v1;
	v6 =	vld [tilespmem:s10+$0x150]  }
0x126: {  	v12 =	vld [tilespmem:s0+$0xFFFFFE60];
	v5 =	vmul.f32 v5, v8  }
0x127: {  	v8 =	vld [tilespmem:s10+$0xFFFFFE60];
	[tilespmem:s10+$0xFFFFFED0] =	vst v1;
	v1 =	vmul.f32 v3, v9  }
0x128: {  	v3 =	vld [tilespmem:s0+$0xFFFFFEE0];
	[tilespmem:s10+$0xFFFFFF50] =	vst v5;
	v4 =	vmul.f32 v4, v10  }
0x129: {  	v5 =	vld [tilespmem:s0+$0xFFFFFF60];
	[tilespmem:s10+$0xFFFFFFD0] =	vst v1;
	v1 =	vmul.f32 v7, v11  }
0x12a: {  	v7 =	vld [tilespmem:s0+$0xFFFFFFE0];
	[tilespmem:s10+$0x50] =	vst v4;
	v2 =	vmul.f32 v2, v6  }
0x12b: {  	v4 =	vld [tilespmem:s0+$0x60];
	[tilespmem:s10+$0xD0] =	vst v1  }
0x12c: {  	v1 =	vmul.f32 v12, v8;
	v6 =	vld [tilespmem:s0+$0xE0];
	[tilespmem:s10+$0x150] =	vst v2  }
0x12d: {  	v2 =	vld [tilespmem:s0+$0x160]  }
0x12e: {  	[tilespmem:s10+$0xFFFFFE60] =	vst v1;
	v1 =	vld [tilespmem:s10+$0xFFFFFEE0]  }
0x12f: {  	v8 =	vld [tilespmem:s10+$0xFFFFFF60]  }
0x130: {  	v9 =	vld [tilespmem:s10+$0xFFFFFFE0]  }
0x131: {  	v10 =	vld [tilespmem:s10+$0x60]  }
0x132: {  	v11 =	vld [tilespmem:s10+$0xE0]  }
0x133: {  	v1 =	vmul.f32 v3, v1;
	v3 =	vld [tilespmem:s10+$0x160]  }
0x134: {  	v12 =	vld [tilespmem:s0+$0xFFFFFE70];
	v5 =	vmul.f32 v5, v8  }
0x135: {  	v8 =	vld [tilespmem:s10+$0xFFFFFE70];
	[tilespmem:s10+$0xFFFFFEE0] =	vst v1;
	v1 =	vmul.f32 v7, v9  }
0x136: {  	v13 =	vld [tilespmem:s0+$0xFFFFFEF0];
	[tilespmem:s10+$0xFFFFFF60] =	vst v5;
	v5 =	vmul.f32 v4, v10  }
0x137: {  	v7 =	vld [tilespmem:s0+$0xFFFFFF70];
	[tilespmem:s10+$0xFFFFFFE0] =	vst v1;
	v1 =	vmul.f32 v6, v11  }
0x138: {  	v4 =	vld [tilespmem:s0+$0xFFFFFFF0];
	[tilespmem:s10+$0x60] =	vst v5;
	v2 =	vmul.f32 v2, v3  }
0x139: {  	v5 =	vld [tilespmem:s0+$0x70];
	[tilespmem:s10+$0xE0] =	vst v1  }
0x13a: {  	v1 =	vmul.f32 v12, v8;
	v6 =	vld [tilespmem:s0+$0xF0];
	[tilespmem:s10+$0x160] =	vst v2  }
0x13b: {  	v3 =	vld [tilespmem:s0+$0x170]  }
0x13c: {  	[tilespmem:s10+$0xFFFFFE70] =	vst v1;
	v2 =	vld [tilespmem:s10+$0xFFFFFEF0]  }
.Ltmp0:
0x13d: {  	v10 =	vld [tilespmem:s10+$0xFFFFFF70];
	(pc) =	sbr.rel @p0 .LBB2_3-.Ltmp0, $4  }
0x13e: {  	v9 =	vld [tilespmem:s10+$0xFFFFFFF0]  }
0x13f: {  	v8 =	vld [tilespmem:s10+$0x70]  }
0x140: {  	v1 =	vld [tilespmem:s10+$0xF0]  }
0x141: {  	s10 =	sadd.s32 $0x400, s10;
	v11 =	vmul.f32 v13, v2;
	v2 =	vld [tilespmem:s2+$0x170]  }
0x142: {  	v7 =	vmul.f32 v7, v10  }
0x143: {  	[tilespmem:s2+$0xFFFFFEF0] =	vst v11;
	v4 =	vmul.f32 v4, v9  }
0x144: {  	[tilespmem:s2+$0xFFFFFF70] =	vst v7;
	v5 =	vmul.f32 v5, v8  }
0x145: {  	s31 =	sadd.s32 $0x1, s31;
	[tilespmem:s2+$0xFFFFFFF0] =	vst v4;
	v1 =	vmul.f32 v6, v1  }
0x146: {  	p0 =	sne.s32 s31, $0x4F;
	[tilespmem:s2+$0x70] =	vst v5;
	v2 =	vmul.f32 v3, v2  }
.Ltmp1:
0x147: {  	[tilespmem:s2+$0xF0] =	vst v1;
	(pc) =	sbr.rel @p0 .LBB2_2-.Ltmp1, $4  }
0x148: {  	[tilespmem:s2+$0x170] =	vst v2  }
0x149: {  	[spmem:s3] =	stream.indirect.scatter.add.f32 [tilespmem:s22], [sflag:$0x3], $0x80, s25, s20, $0xb8;
	[tilespmem:$0x1C378] =	vst v63  }
0x14a: {  	_ = 	snop  }
0x14b: {  	[spmem:s4] =	stream.indirect.scatter.add.f32 [tilespmem:s26], [sflag:$0x4], $0x1, s25, s20, $0xb8;
	[tilespmem:$0x1C378] =	vst v63  }
0x14c: {  	_ =	swait.ge [sflag:s28], $0x4000  }
0x14d: {  	[sflag:s28] =	ssyncset.done $0x0  }
0x14e: {  	[sflag:s28] =	ssyncadd.s32 $0xFFFFC000  }
0x14f: {  	_ =	swait.ge [sflag:s29], $0x80  }
0x150: {  	[sflag:s29] =	ssyncset.done $0x0  }
0x151: {  	[sflag:s29] =	ssyncadd.s32 $0xFFFFFF80  }
0x152: {  	[bflag:$0x0] =	sbarrier.arrive $0xFFFF  }
0x153: {  	[hbm:s14], [sflag:s9] =	dma.local [spmem:s17], $0x2780  }
0x154: {  	_ =	swait.ge [sflag:s18], $0x2780  }
0x155: {  	[sflag:s18] =	ssyncset.done $0x0  }
0x156: {  	[sflag:s18] =	ssyncadd.s32 $0xFFFFD880  }
0x157: {  	[tilespmem:s19], [sflag:$0x5] =	stream.linear.gather [spmem:s12], $0x278, $0x38;
	[tilespmem:$0x1C378] =	vst v63  }
0x158: {  	s30 =	sadd.s32 $0x1, s30;
	_ =	swait.ge [sflag:s18], $0x278  }
0x159: {  	p0 =	sne.s32 s30, s16;
	[sflag:s18] =	ssyncset.done $0x0  }
.Ltmp2:
0x15a: {  	[sflag:s18] =	ssyncadd.s32 $0xFFFFFD88;
	(pc) =	sbr.rel @p0 .LBB2_1-.Ltmp2, $4  }
0x15b: {  	[hbm4b:s15+s5] =	stream.linear.scatter [tilespmem:s19], [sflag:$0x5], $0x278, $0x38;
	[tilespmem:$0x1C378] =	vst v63  }
0x15c: {  	_ =	swait.ge [sflag:s18], $0x278  }
0x15d: {  	[sflag:s18] =	ssyncset.done $0x0  }
0x15e: {  	[sflag:s18] =	ssyncadd.s32 $0xFFFFFD88  }
0x15f: {  	_ =	sfence.sel $0x180000  }
0x160: {  	[bflag:$0x0] =	sbarrier.arrive $0xFFFF  }
0x161: {  	_ =	strace $0x90000047  }
0x162: {  	s0 =	stileid.u32;
	[bflag:$0x2] =	sbarrier.arrive $0xFFFF  }
0x163: {  	p0 =	sne.s32 s0, $0x0;
	s0 =	rddreg [dreg:$0x4]  }
0x164: {  	s0 =	sadd.s32 @!p0 $0x100000, s0  }
0x165: {  	[sflag:s0] =	ssyncadd.tile.s32 @!p0 $0x1;
	_ =	shalt  }
.Lfunc_end2:
_tile_overlayer_lowered:
.L_overlay_start_2:
0x166: {  	(tag) =	ssettag $0x2  }
0x167: {  	s0 =	rddreg [dreg:$0x0];
	s2 =	stileid.u32  }
0x168: {  	s1 =	rddreg [dreg:$0x1];
	p0 =	sne.s32 s2, $0x0  }
0x169: {  	s3 =	rddreg [dreg:$0x2];
	[bflag:$0x3] =	sbarrier.arrive $0xFFFF;
	s2 =	simm.s32 @!p0 $0x1C05  }
0x16a: {  	[timem:s3], [sflag:s2] =	dma.local @!p0 [hbm:s0], s1  }
0x16b: {  	s0 =	simm.s32 @!p0 $0x5  }
0x16c: {  	_ =	swait.ge @!p0 [sflag:s0], s1  }
0x16d: {  	s1 =	ssub.s32 @!p0 $0x0, s1;
	[sflag:s0] =	ssyncset.done @!p0 $0x0  }
0x16e: {  	[sflag:s0] =	ssyncadd.s32 @!p0 s1  }
0x16f: {  	[bflag:$0x3] =	sbarrier.arrive $0xFFFF  }
0x170: {  	_ =	shalt  }

</sc_bundles>
